<compile_context>
chip_gen: v7x
topology: tpu7x:2x2x1
jax: 0.10.2.dev20260603
libtpu: 0.0.44.dev20260713+nightly
codegen_flags: <defaults>
</compile_context>

<pallas_src>
import functools

import jax
import jax.numpy as jnp
from jax import lax
from jax.experimental import pallas as pl
from jax.experimental.pallas import tpu as pltpu
from jax.experimental.pallas import tpu_sc as plsc

CA, CB = 96, 104
K = 4


@functools.lru_cache(maxsize=None)
def _build(n_rows: int, n_cols: int, emb: int, nc: int, ns: int):
    nw = nc * ns
    assert n_rows % nw == 0 and n_cols == CA + CB
    rows_per_w = n_rows // nw
    nchunks = rows_per_w * 2
    assert nchunks % (2 * K) == 0
    ngroups = nchunks // K
    npairs = (ngroups - 2) // 2

    mesh = plsc.VectorSubcoreMesh(core_axis_name="c", subcore_axis_name="s")

    @functools.partial(
        pl.kernel,
        out_type=jax.ShapeDtypeStruct((n_rows, n_cols, emb), jnp.float32),
        mesh=mesh,
        scratch_types=[
            pltpu.VMEM((rows_per_w, n_cols), jnp.int32),
            pltpu.VMEM((2 * K, CB, emb), jnp.float32),
            pltpu.SemaphoreType.DMA,
            pltpu.SemaphoreType.DMA,
            pltpu.SemaphoreType.DMA,
            pltpu.SemaphoreType.DMA,
        ],
        compiler_params=pltpu.CompilerParams(use_tc_tiling_on_sc=False),
    )
    def emb_kernel(table_hbm, idx_hbm, out_hbm, idx_v, rows_v,
                   gsem0, gsem1, osem0, osem1):
        wid = lax.axis_index("s") * nc + lax.axis_index("c")
        row0 = wid * rows_per_w
        pltpu.sync_copy(idx_hbm.at[pl.ds(row0, rows_per_w)], idx_v)
        gsem = (gsem0, gsem1)
        osem = (osem0, osem1)

        def _cw(b):
            return (0, CA) if b % 2 == 0 else (CA, CB)

        def fire_gathers(g, h):
            for b in range(K):
                c0, cw = _cw(b)
                pltpu.async_copy(
                    table_hbm.at[idx_v.at[2 * g + b // 2, pl.ds(c0, cw)]],
                    rows_v.at[h * K + b, pl.ds(0, cw)], gsem[h])

        def wait_gathers(h):
            for b in range(K):
                c0, cw = _cw(b)
                pltpu.make_async_copy(
                    table_hbm.at[idx_v.at[0, pl.ds(0, cw)]],
                    rows_v.at[h * K + b, pl.ds(0, cw)], gsem[h]).wait()

        def fire_outs(g, h):
            for b in range(K):
                c0, cw = _cw(b)
                pltpu.async_copy(
                    rows_v.at[h * K + b, pl.ds(0, cw)],
                    out_hbm.at[row0 + 2 * g + b // 2, pl.ds(c0, cw)],
                    osem[h])

        def wait_outs(h):
            for b in range(K):
                c0, cw = _cw(b)
                pltpu.make_async_copy(
                    rows_v.at[h * K + b, pl.ds(0, cw)],
                    out_hbm.at[row0, pl.ds(c0, cw)], osem[h]).wait()

        fire_gathers(0, 0)
        wait_gathers(0)
        fire_outs(0, 0)
        fire_gathers(1, 1)

        def pair_body(t, carry):
            g1 = 2 * t + 1
            wait_gathers(1)
            fire_outs(g1, 1)
            wait_outs(0)
            fire_gathers(g1 + 1, 0)
            wait_gathers(0)
            fire_outs(g1 + 1, 0)
            wait_outs(1)
            fire_gathers(g1 + 2, 1)
            return carry

        lax.fori_loop(0, npairs, pair_body, 0)

        wait_gathers(1)
        fire_outs(ngroups - 1, 1)
        wait_outs(0)
        wait_outs(1)

    return emb_kernel


def kernel(indices, table):
    n_rows, n_cols = indices.shape
    emb = table.shape[1]
    info = plsc.get_sparse_core_info()
    emb_kernel = _build(n_rows, n_cols, emb, info.num_cores, info.num_subcores)
    return emb_kernel(table, indices)

# --- scband reference (transcript-rebuilt; emitter-appended) ---
"""Pipeline reference for scband-awd-lstm-55276229100018 (READ-ONLY COPY).

The authoritative reference and input builder live on the scoring server;
editing this copy changes nothing except your own understanding.
"""

import jax, jax.numpy as jnp
import numpy as np

VOCAB_SZ = 1000000
EMB_SZ = 64
PAD_TOKEN = 1

def setup_inputs(seed: int = 0) -> dict:
    key = jax.random.key(seed)
    k1, k2 = jax.random.split(key)
    indices = jax.random.randint(k1, (4096, 200), 0, VOCAB_SZ, dtype=jnp.int32)
    # Embedding table (nn.Embedding weight); padding_idx row is zero-initialized
    table = jax.random.normal(k2, (VOCAB_SZ, EMB_SZ), dtype=jnp.float32) * 0.02
    table = table.at[PAD_TOKEN].set(0.0)
    return {"indices": indices, "table": table}

def reference(indices, table):
    # AWD_LSTM encoder forward: nn.Embedding lookup (EmbeddingDropout is identity in eval mode)
    out = jnp.take(table, indices, axis=0)
    return out

if __name__ == "__main__":
    import jax
    _d = setup_inputs()
    print(jax.jit(kernel)(*tuple(_d.values())))

</pallas_src>

<mosaic_0001>
#map = affine_map<(d0, d1) -> (0, 0)>
#map1 = affine_map<(d0, d1) -> (0, 0, 0)>
module attributes {stable_mosaic.version = 14 : i64} {
  func.func @emb_kernel(%arg0: i32, %arg1: i32, %arg2: memref<1000000x64xf32, #tpu.memory_space<hbm>>, %arg3: memref<4096x200xi32, #tpu.memory_space<hbm>>, %arg4: memref<4096x200x64xf32, #tpu.memory_space<hbm>>, %arg5: memref<128x200xi32, #tpu.memory_space<vmem>>, %arg6: memref<8x104x64xf32, #tpu.memory_space<vmem>>, %arg7: memref<!tpu.dma_semaphore, #tpu.memory_space<semaphore_mem>>, %arg8: memref<!tpu.dma_semaphore, #tpu.memory_space<semaphore_mem>>, %arg9: memref<!tpu.dma_semaphore, #tpu.memory_space<semaphore_mem>>, %arg10: memref<!tpu.dma_semaphore, #tpu.memory_space<semaphore_mem>>) attributes {dimension_semantics = [#tpu.dimension_semantics<core_parallel>, #tpu.dimension_semantics<subcore_parallel>], iteration_bounds = array<i64: 2, 16>, scalar_prefetch = 0 : i64, scratch_operands = 6 : i64, tpu.core_type = #tpu.core_type<sc_vector_subcore>, window_params = [{transform_indices = #map}, {transform_indices = #map}, {transform_indices = #map1}]} {
    %mul3A = arith.constant 2 : i32
    %mul3A_0 = arith.muli %arg1, %mul3A : i32
    %add3A = arith.addi %mul3A_0, %arg0 : i32
    %mul3A_1 = arith.constant 128 : i32
    %mul3A_2 = arith.muli %add3A, %mul3A_1 : i32
    "tpu.region"() ({
      %run_scoped3A = tpu.sem_alloc : memref<!tpu.dma_semaphore, #tpu.memory_space<semaphore_mem>>
      %dma_start3A_502 = arith.constant 0 : i32
      %dma_start3A_503 = tpu.memref_slice %arg3[%mul3A_2, %dma_start3A_502] : memref<4096x200xi32, #tpu.memory_space<hbm>> -> memref<128x200xi32, #tpu.memory_space<hbm>>
      %dma_start3A_504 = arith.constant 0 : i32
      %dma_start3A_505 = tpu.memref_slice %arg3[%mul3A_2, %dma_start3A_504] : memref<4096x200xi32, #tpu.memory_space<hbm>> -> memref<128x200xi32, #tpu.memory_space<hbm>>
      tpu.enqueue_dma source(%dma_start3A_505 : memref<128x200xi32, #tpu.memory_space<hbm>>) target(%arg5 : memref<128x200xi32, #tpu.memory_space<vmem>>) target_semaphore(%run_scoped3A : memref<!tpu.dma_semaphore, #tpu.memory_space<semaphore_mem>>)
      %dma_wait3A_506 = arith.constant 0 : i32
      %dma_wait3A_507 = tpu.memref_slice %arg3[%mul3A_2, %dma_wait3A_506] : memref<4096x200xi32, #tpu.memory_space<hbm>> -> memref<128x200xi32, #tpu.memory_space<hbm>>
      %dma_wait3A_508 = arith.constant 0 : i32
      %dma_wait3A_509 = tpu.memref_slice %arg3[%mul3A_2, %dma_wait3A_508] : memref<4096x200xi32, #tpu.memory_space<hbm>> -> memref<128x200xi32, #tpu.memory_space<hbm>>
      tpu.wait_dma2 semaphore(%run_scoped3A : memref<!tpu.dma_semaphore, #tpu.memory_space<semaphore_mem>>) src(%dma_wait3A_509 : memref<128x200xi32, #tpu.memory_space<hbm>>) dst(%arg5 : memref<128x200xi32, #tpu.memory_space<vmem>>)
      tpu.yield
    }) : () -> ()
    %dma_start3A = arith.constant 0 : i32
    %dma_start3A_3 = arith.constant 0 : i32
    %dma_start3A_4 = arith.constant 0 : i32
    %dma_start3A_5 = arith.constant 0 : i32
    %dma_start3A_6 = tpu.memref_slice %arg6[%dma_start3A_3, %dma_start3A_4, %dma_start3A_5] : memref<8x104x64xf32, #tpu.memory_space<vmem>> -> memref<1x96x64xf32, #tpu.memory_space<vmem>>
    %dma_start3A_7 = tpu.memref_squeeze %dma_start3A_6 : memref<1x96x64xf32, #tpu.memory_space<vmem>> -> memref<96x64xf32, #tpu.memory_space<vmem>>
    %dma_start3A_8 = arith.constant 0 : i32
    %dma_start3A_9 = tpu.memref_slice %arg5[%dma_start3A, %dma_start3A_8] : memref<128x200xi32, #tpu.memory_space<vmem>> -> memref<1x96xi32, #tpu.memory_space<vmem>>
    %dma_start3A_10 = tpu.memref_squeeze %dma_start3A_9 : memref<1x96xi32, #tpu.memory_space<vmem>> -> memref<96xi32, #tpu.memory_space<vmem>>
    %dma_start3A_11 = arith.constant 0 : i32
    %dma_start3A_12 = arith.constant 0 : i32
    %dma_start3A_13 = tpu.memref_slice %arg2[%dma_start3A_11, %dma_start3A_12] : memref<1000000x64xf32, #tpu.memory_space<hbm>> -> memref<1000000x64xf32, #tpu.memory_space<hbm>>
    tpu.enqueue_indirect_dma source(%dma_start3A_13 : memref<1000000x64xf32, #tpu.memory_space<hbm>>) target(%dma_start3A_7 : memref<96x64xf32, #tpu.memory_space<vmem>>) offsets(%dma_start3A_10 : memref<96xi32, #tpu.memory_space<vmem>>) semaphore(%arg7 : memref<!tpu.dma_semaphore, #tpu.memory_space<semaphore_mem>>)
    %dma_start3A_14 = arith.constant 0 : i32
    %dma_start3A_15 = arith.constant 1 : i32
    %dma_start3A_16 = arith.constant 0 : i32
    %dma_start3A_17 = arith.constant 0 : i32
    %dma_start3A_18 = tpu.memref_slice %arg6[%dma_start3A_15, %dma_start3A_16, %dma_start3A_17] : memref<8x104x64xf32, #tpu.memory_space<vmem>> -> memref<1x104x64xf32, #tpu.memory_space<vmem>>
    %dma_start3A_19 = tpu.memref_squeeze %dma_start3A_18 : memref<1x104x64xf32, #tpu.memory_space<vmem>> -> memref<104x64xf32, #tpu.memory_space<vmem>>
    %dma_start3A_20 = arith.constant 96 : i32
    %dma_start3A_21 = tpu.memref_slice %arg5[%dma_start3A_14, %dma_start3A_20] : memref<128x200xi32, #tpu.memory_space<vmem>> -> memref<1x104xi32, #tpu.memory_space<vmem>>
    %dma_start3A_22 = tpu.memref_squeeze %dma_start3A_21 : memref<1x104xi32, #tpu.memory_space<vmem>> -> memref<104xi32, #tpu.memory_space<vmem>>
    %dma_start3A_23 = arith.constant 0 : i32
    %dma_start3A_24 = arith.constant 0 : i32
    %dma_start3A_25 = tpu.memref_slice %arg2[%dma_start3A_23, %dma_start3A_24] : memref<1000000x64xf32, #tpu.memory_space<hbm>> -> memref<1000000x64xf32, #tpu.memory_space<hbm>>
    tpu.enqueue_indirect_dma source(%dma_start3A_25 : memref<1000000x64xf32, #tpu.memory_space<hbm>>) target(%dma_start3A_19 : memref<104x64xf32, #tpu.memory_space<vmem>>) offsets(%dma_start3A_22 : memref<104xi32, #tpu.memory_space<vmem>>) semaphore(%arg7 : memref<!tpu.dma_semaphore, #tpu.memory_space<semaphore_mem>>)
    %dma_start3A_26 = arith.constant 1 : i32
    %dma_start3A_27 = arith.constant 2 : i32
    %dma_start3A_28 = arith.constant 0 : i32
    %dma_start3A_29 = arith.constant 0 : i32
    %dma_start3A_30 = tpu.memref_slice %arg6[%dma_start3A_27, %dma_start3A_28, %dma_start3A_29] : memref<8x104x64xf32, #tpu.memory_space<vmem>> -> memref<1x96x64xf32, #tpu.memory_space<vmem>>
    %dma_start3A_31 = tpu.memref_squeeze %dma_start3A_30 : memref<1x96x64xf32, #tpu.memory_space<vmem>> -> memref<96x64xf32, #tpu.memory_space<vmem>>
    %dma_start3A_32 = arith.constant 0 : i32
    %dma_start3A_33 = tpu.memref_slice %arg5[%dma_start3A_26, %dma_start3A_32] : memref<128x200xi32, #tpu.memory_space<vmem>> -> memref<1x96xi32, #tpu.memory_space<vmem>>
    %dma_start3A_34 = tpu.memref_squeeze %dma_start3A_33 : memref<1x96xi32, #tpu.memory_space<vmem>> -> memref<96xi32, #tpu.memory_space<vmem>>
    %dma_start3A_35 = arith.constant 0 : i32
    %dma_start3A_36 = arith.constant 0 : i32
    %dma_start3A_37 = tpu.memref_slice %arg2[%dma_start3A_35, %dma_start3A_36] : memref<1000000x64xf32, #tpu.memory_space<hbm>> -> memref<1000000x64xf32, #tpu.memory_space<hbm>>
    tpu.enqueue_indirect_dma source(%dma_start3A_37 : memref<1000000x64xf32, #tpu.memory_space<hbm>>) target(%dma_start3A_31 : memref<96x64xf32, #tpu.memory_space<vmem>>) offsets(%dma_start3A_34 : memref<96xi32, #tpu.memory_space<vmem>>) semaphore(%arg7 : memref<!tpu.dma_semaphore, #tpu.memory_space<semaphore_mem>>)
    %dma_start3A_38 = arith.constant 1 : i32
    %dma_start3A_39 = arith.constant 3 : i32
    %dma_start3A_40 = arith.constant 0 : i32
    %dma_start3A_41 = arith.constant 0 : i32
    %dma_start3A_42 = tpu.memref_slice %arg6[%dma_start3A_39, %dma_start3A_40, %dma_start3A_41] : memref<8x104x64xf32, #tpu.memory_space<vmem>> -> memref<1x104x64xf32, #tpu.memory_space<vmem>>
    %dma_start3A_43 = tpu.memref_squeeze %dma_start3A_42 : memref<1x104x64xf32, #tpu.memory_space<vmem>> -> memref<104x64xf32, #tpu.memory_space<vmem>>
    %dma_start3A_44 = arith.constant 96 : i32
    %dma_start3A_45 = tpu.memref_slice %arg5[%dma_start3A_38, %dma_start3A_44] : memref<128x200xi32, #tpu.memory_space<vmem>> -> memref<1x104xi32, #tpu.memory_space<vmem>>
    %dma_start3A_46 = tpu.memref_squeeze %dma_start3A_45 : memref<1x104xi32, #tpu.memory_space<vmem>> -> memref<104xi32, #tpu.memory_space<vmem>>
    %dma_start3A_47 = arith.constant 0 : i32
    %dma_start3A_48 = arith.constant 0 : i32
    %dma_start3A_49 = tpu.memref_slice %arg2[%dma_start3A_47, %dma_start3A_48] : memref<1000000x64xf32, #tpu.memory_space<hbm>> -> memref<1000000x64xf32, #tpu.memory_space<hbm>>
    tpu.enqueue_indirect_dma source(%dma_start3A_49 : memref<1000000x64xf32, #tpu.memory_space<hbm>>) target(%dma_start3A_43 : memref<104x64xf32, #tpu.memory_space<vmem>>) offsets(%dma_start3A_46 : memref<104xi32, #tpu.memory_space<vmem>>) semaphore(%arg7 : memref<!tpu.dma_semaphore, #tpu.memory_space<semaphore_mem>>)
    %dma_wait3A = arith.constant 0 : i32
    %dma_wait3A_50 = arith.constant 0 : i32
    %dma_wait3A_51 = arith.constant 0 : i32
    %dma_wait3A_52 = arith.constant 0 : i32
    %dma_wait3A_53 = tpu.memref_slice %arg6[%dma_wait3A_50, %dma_wait3A_51, %dma_wait3A_52] : memref<8x104x64xf32, #tpu.memory_space<vmem>> -> memref<1x96x64xf32, #tpu.memory_space<vmem>>
    %dma_wait3A_54 = tpu.memref_squeeze %dma_wait3A_53 : memref<1x96x64xf32, #tpu.memory_space<vmem>> -> memref<96x64xf32, #tpu.memory_space<vmem>>
    %dma_wait3A_55 = arith.constant 0 : i32
    %dma_wait3A_56 = tpu.memref_slice %arg5[%dma_wait3A, %dma_wait3A_55] : memref<128x200xi32, #tpu.memory_space<vmem>> -> memref<1x96xi32, #tpu.memory_space<vmem>>
    %dma_wait3A_57 = tpu.memref_squeeze %dma_wait3A_56 : memref<1x96xi32, #tpu.memory_space<vmem>> -> memref<96xi32, #tpu.memory_space<vmem>>
    %dma_wait3A_58 = arith.constant 0 : i32
    %dma_wait3A_59 = arith.constant 0 : i32
    %dma_wait3A_60 = tpu.memref_slice %arg2[%dma_wait3A_58, %dma_wait3A_59] : memref<1000000x64xf32, #tpu.memory_space<hbm>> -> memref<1000000x64xf32, #tpu.memory_space<hbm>>
    tpu.wait_indirect_dma semaphore(%arg7 : memref<!tpu.dma_semaphore, #tpu.memory_space<semaphore_mem>>) src(%dma_wait3A_60 : memref<1000000x64xf32, #tpu.memory_space<hbm>>) dst(%dma_wait3A_54 : memref<96x64xf32, #tpu.memory_space<vmem>>)
    %dma_wait3A_61 = arith.constant 0 : i32
    %dma_wait3A_62 = arith.constant 1 : i32
    %dma_wait3A_63 = arith.constant 0 : i32
    %dma_wait3A_64 = arith.constant 0 : i32
    %dma_wait3A_65 = tpu.memref_slice %arg6[%dma_wait3A_62, %dma_wait3A_63, %dma_wait3A_64] : memref<8x104x64xf32, #tpu.memory_space<vmem>> -> memref<1x104x64xf32, #tpu.memory_space<vmem>>
    %dma_wait3A_66 = tpu.memref_squeeze %dma_wait3A_65 : memref<1x104x64xf32, #tpu.memory_space<vmem>> -> memref<104x64xf32, #tpu.memory_space<vmem>>
    %dma_wait3A_67 = arith.constant 0 : i32
    %dma_wait3A_68 = tpu.memref_slice %arg5[%dma_wait3A_61, %dma_wait3A_67] : memref<128x200xi32, #tpu.memory_space<vmem>> -> memref<1x104xi32, #tpu.memory_space<vmem>>
    %dma_wait3A_69 = tpu.memref_squeeze %dma_wait3A_68 : memref<1x104xi32, #tpu.memory_space<vmem>> -> memref<104xi32, #tpu.memory_space<vmem>>
    %dma_wait3A_70 = arith.constant 0 : i32
    %dma_wait3A_71 = arith.constant 0 : i32
    %dma_wait3A_72 = tpu.memref_slice %arg2[%dma_wait3A_70, %dma_wait3A_71] : memref<1000000x64xf32, #tpu.memory_space<hbm>> -> memref<1000000x64xf32, #tpu.memory_space<hbm>>
    tpu.wait_indirect_dma semaphore(%arg7 : memref<!tpu.dma_semaphore, #tpu.memory_space<semaphore_mem>>) src(%dma_wait3A_72 : memref<1000000x64xf32, #tpu.memory_space<hbm>>) dst(%dma_wait3A_66 : memref<104x64xf32, #tpu.memory_space<vmem>>)
    %dma_wait3A_73 = arith.constant 0 : i32
    %dma_wait3A_74 = arith.constant 2 : i32
    %dma_wait3A_75 = arith.constant 0 : i32
    %dma_wait3A_76 = arith.constant 0 : i32
    %dma_wait3A_77 = tpu.memref_slice %arg6[%dma_wait3A_74, %dma_wait3A_75, %dma_wait3A_76] : memref<8x104x64xf32, #tpu.memory_space<vmem>> -> memref<1x96x64xf32, #tpu.memory_space<vmem>>
    %dma_wait3A_78 = tpu.memref_squeeze %dma_wait3A_77 : memref<1x96x64xf32, #tpu.memory_space<vmem>> -> memref<96x64xf32, #tpu.memory_space<vmem>>
    %dma_wait3A_79 = arith.constant 0 : i32
    %dma_wait3A_80 = tpu.memref_slice %arg5[%dma_wait3A_73, %dma_wait3A_79] : memref<128x200xi32, #tpu.memory_space<vmem>> -> memref<1x96xi32, #tpu.memory_space<vmem>>
    %dma_wait3A_81 = tpu.memref_squeeze %dma_wait3A_80 : memref<1x96xi32, #tpu.memory_space<vmem>> -> memref<96xi32, #tpu.memory_space<vmem>>
    %dma_wait3A_82 = arith.constant 0 : i32
    %dma_wait3A_83 = arith.constant 0 : i32
    %dma_wait3A_84 = tpu.memref_slice %arg2[%dma_wait3A_82, %dma_wait3A_83] : memref<1000000x64xf32, #tpu.memory_space<hbm>> -> memref<1000000x64xf32, #tpu.memory_space<hbm>>
    tpu.wait_indirect_dma semaphore(%arg7 : memref<!tpu.dma_semaphore, #tpu.memory_space<semaphore_mem>>) src(%dma_wait3A_84 : memref<1000000x64xf32, #tpu.memory_space<hbm>>) dst(%dma_wait3A_78 : memref<96x64xf32, #tpu.memory_space<vmem>>)
    %dma_wait3A_85 = arith.constant 0 : i32
    %dma_wait3A_86 = arith.constant 3 : i32
    %dma_wait3A_87 = arith.constant 0 : i32
    %dma_wait3A_88 = arith.constant 0 : i32
    %dma_wait3A_89 = tpu.memref_slice %arg6[%dma_wait3A_86, %dma_wait3A_87, %dma_wait3A_88] : memref<8x104x64xf32, #tpu.memory_space<vmem>> -> memref<1x104x64xf32, #tpu.memory_space<vmem>>
    %dma_wait3A_90 = tpu.memref_squeeze %dma_wait3A_89 : memref<1x104x64xf32, #tpu.memory_space<vmem>> -> memref<104x64xf32, #tpu.memory_space<vmem>>
    %dma_wait3A_91 = arith.constant 0 : i32
    %dma_wait3A_92 = tpu.memref_slice %arg5[%dma_wait3A_85, %dma_wait3A_91] : memref<128x200xi32, #tpu.memory_space<vmem>> -> memref<1x104xi32, #tpu.memory_space<vmem>>
    %dma_wait3A_93 = tpu.memref_squeeze %dma_wait3A_92 : memref<1x104xi32, #tpu.memory_space<vmem>> -> memref<104xi32, #tpu.memory_space<vmem>>
    %dma_wait3A_94 = arith.constant 0 : i32
    %dma_wait3A_95 = arith.constant 0 : i32
    %dma_wait3A_96 = tpu.memref_slice %arg2[%dma_wait3A_94, %dma_wait3A_95] : memref<1000000x64xf32, #tpu.memory_space<hbm>> -> memref<1000000x64xf32, #tpu.memory_space<hbm>>
    tpu.wait_indirect_dma semaphore(%arg7 : memref<!tpu.dma_semaphore, #tpu.memory_space<semaphore_mem>>) src(%dma_wait3A_96 : memref<1000000x64xf32, #tpu.memory_space<hbm>>) dst(%dma_wait3A_90 : memref<104x64xf32, #tpu.memory_space<vmem>>)
    %add3A_97 = arith.constant 0 : i32
    %add3A_98 = arith.addi %mul3A_2, %add3A_97 : i32
    %add3A_99 = arith.constant 0 : i32
    %add3A_100 = arith.addi %add3A_98, %add3A_99 : i32
    %dma_start3A_101 = arith.constant 0 : i32
    %dma_start3A_102 = arith.constant 0 : i32
    %dma_start3A_103 = arith.constant 0 : i32
    %dma_start3A_104 = tpu.memref_slice %arg6[%dma_start3A_101, %dma_start3A_102, %dma_start3A_103] : memref<8x104x64xf32, #tpu.memory_space<vmem>> -> memref<1x96x64xf32, #tpu.memory_space<vmem>>
    %dma_start3A_105 = tpu.memref_squeeze %dma_start3A_104 : memref<1x96x64xf32, #tpu.memory_space<vmem>> -> memref<96x64xf32, #tpu.memory_space<vmem>>
    %dma_start3A_106 = arith.constant 0 : i32
    %dma_start3A_107 = arith.constant 0 : i32
    %dma_start3A_108 = tpu.memref_slice %arg4[%add3A_100, %dma_start3A_106, %dma_start3A_107] : memref<4096x200x64xf32, #tpu.memory_space<hbm>> -> memref<1x96x64xf32, #tpu.memory_space<hbm>>
    %dma_start3A_109 = tpu.memref_squeeze %dma_start3A_108 : memref<1x96x64xf32, #tpu.memory_space<hbm>> -> memref<96x64xf32, #tpu.memory_space<hbm>>
    %dma_start3A_110 = arith.constant 0 : i32
    %dma_start3A_111 = arith.constant 0 : i32
    %dma_start3A_112 = tpu.memref_slice %arg4[%add3A_100, %dma_start3A_110, %dma_start3A_111] : memref<4096x200x64xf32, #tpu.memory_space<hbm>> -> memref<1x96x64xf32, #tpu.memory_space<hbm>>
    %dma_start3A_113 = tpu.memref_squeeze %dma_start3A_112 : memref<1x96x64xf32, #tpu.memory_space<hbm>> -> memref<96x64xf32, #tpu.memory_space<hbm>>
    %dma_start3A_114 = arith.constant 0 : i32
    %dma_start3A_115 = arith.constant 0 : i32
    %dma_start3A_116 = tpu.memref_slice %arg6[%dma_start3A_101, %dma_start3A_114, %dma_start3A_115] : memref<8x104x64xf32, #tpu.memory_space<vmem>> -> memref<1x96x64xf32, #tpu.memory_space<vmem>>
    %dma_start3A_117 = tpu.memref_squeeze %dma_start3A_116 : memref<1x96x64xf32, #tpu.memory_space<vmem>> -> memref<96x64xf32, #tpu.memory_space<vmem>>
    tpu.enqueue_dma source(%dma_start3A_117 : memref<96x64xf32, #tpu.memory_space<vmem>>) target(%dma_start3A_113 : memref<96x64xf32, #tpu.memory_space<hbm>>) target_semaphore(%arg9 : memref<!tpu.dma_semaphore, #tpu.memory_space<semaphore_mem>>)
    %add3A_118 = arith.constant 0 : i32
    %add3A_119 = arith.addi %mul3A_2, %add3A_118 : i32
    %add3A_120 = arith.constant 0 : i32
    %add3A_121 = arith.addi %add3A_119, %add3A_120 : i32
    %dma_start3A_122 = arith.constant 1 : i32
    %dma_start3A_123 = arith.constant 0 : i32
    %dma_start3A_124 = arith.constant 0 : i32
    %dma_start3A_125 = tpu.memref_slice %arg6[%dma_start3A_122, %dma_start3A_123, %dma_start3A_124] : memref<8x104x64xf32, #tpu.memory_space<vmem>> -> memref<1x104x64xf32, #tpu.memory_space<vmem>>
    %dma_start3A_126 = tpu.memref_squeeze %dma_start3A_125 : memref<1x104x64xf32, #tpu.memory_space<vmem>> -> memref<104x64xf32, #tpu.memory_space<vmem>>
    %dma_start3A_127 = arith.constant 96 : i32
    %dma_start3A_128 = arith.constant 0 : i32
    %dma_start3A_129 = tpu.memref_slice %arg4[%add3A_121, %dma_start3A_127, %dma_start3A_128] : memref<4096x200x64xf32, #tpu.memory_space<hbm>> -> memref<1x104x64xf32, #tpu.memory_space<hbm>>
    %dma_start3A_130 = tpu.memref_squeeze %dma_start3A_129 : memref<1x104x64xf32, #tpu.memory_space<hbm>> -> memref<104x64xf32, #tpu.memory_space<hbm>>
    %dma_start3A_131 = arith.constant 96 : i32
    %dma_start3A_132 = arith.constant 0 : i32
    %dma_start3A_133 = tpu.memref_slice %arg4[%add3A_121, %dma_start3A_131, %dma_start3A_132] : memref<4096x200x64xf32, #tpu.memory_space<hbm>> -> memref<1x104x64xf32, #tpu.memory_space<hbm>>
    %dma_start3A_134 = tpu.memref_squeeze %dma_start3A_133 : memref<1x104x64xf32, #tpu.memory_space<hbm>> -> memref<104x64xf32, #tpu.memory_space<hbm>>
    %dma_start3A_135 = arith.constant 0 : i32
    %dma_start3A_136 = arith.constant 0 : i32
    %dma_start3A_137 = tpu.memref_slice %arg6[%dma_start3A_122, %dma_start3A_135, %dma_start3A_136] : memref<8x104x64xf32, #tpu.memory_space<vmem>> -> memref<1x104x64xf32, #tpu.memory_space<vmem>>
    %dma_start3A_138 = tpu.memref_squeeze %dma_start3A_137 : memref<1x104x64xf32, #tpu.memory_space<vmem>> -> memref<104x64xf32, #tpu.memory_space<vmem>>
    tpu.enqueue_dma source(%dma_start3A_138 : memref<104x64xf32, #tpu.memory_space<vmem>>) target(%dma_start3A_134 : memref<104x64xf32, #tpu.memory_space<hbm>>) target_semaphore(%arg9 : memref<!tpu.dma_semaphore, #tpu.memory_space<semaphore_mem>>)
    %add3A_139 = arith.constant 0 : i32
    %add3A_140 = arith.addi %mul3A_2, %add3A_139 : i32
    %add3A_141 = arith.constant 1 : i32
    %add3A_142 = arith.addi %add3A_140, %add3A_141 : i32
    %dma_start3A_143 = arith.constant 2 : i32
    %dma_start3A_144 = arith.constant 0 : i32
    %dma_start3A_145 = arith.constant 0 : i32
    %dma_start3A_146 = tpu.memref_slice %arg6[%dma_start3A_143, %dma_start3A_144, %dma_start3A_145] : memref<8x104x64xf32, #tpu.memory_space<vmem>> -> memref<1x96x64xf32, #tpu.memory_space<vmem>>
    %dma_start3A_147 = tpu.memref_squeeze %dma_start3A_146 : memref<1x96x64xf32, #tpu.memory_space<vmem>> -> memref<96x64xf32, #tpu.memory_space<vmem>>
    %dma_start3A_148 = arith.constant 0 : i32
    %dma_start3A_149 = arith.constant 0 : i32
    %dma_start3A_150 = tpu.memref_slice %arg4[%add3A_142, %dma_start3A_148, %dma_start3A_149] : memref<4096x200x64xf32, #tpu.memory_space<hbm>> -> memref<1x96x64xf32, #tpu.memory_space<hbm>>
    %dma_start3A_151 = tpu.memref_squeeze %dma_start3A_150 : memref<1x96x64xf32, #tpu.memory_space<hbm>> -> memref<96x64xf32, #tpu.memory_space<hbm>>
    %dma_start3A_152 = arith.constant 0 : i32
    %dma_start3A_153 = arith.constant 0 : i32
    %dma_start3A_154 = tpu.memref_slice %arg4[%add3A_142, %dma_start3A_152, %dma_start3A_153] : memref<4096x200x64xf32, #tpu.memory_space<hbm>> -> memref<1x96x64xf32, #tpu.memory_space<hbm>>
    %dma_start3A_155 = tpu.memref_squeeze %dma_start3A_154 : memref<1x96x64xf32, #tpu.memory_space<hbm>> -> memref<96x64xf32, #tpu.memory_space<hbm>>
    %dma_start3A_156 = arith.constant 0 : i32
    %dma_start3A_157 = arith.constant 0 : i32
    %dma_start3A_158 = tpu.memref_slice %arg6[%dma_start3A_143, %dma_start3A_156, %dma_start3A_157] : memref<8x104x64xf32, #tpu.memory_space<vmem>> -> memref<1x96x64xf32, #tpu.memory_space<vmem>>
    %dma_start3A_159 = tpu.memref_squeeze %dma_start3A_158 : memref<1x96x64xf32, #tpu.memory_space<vmem>> -> memref<96x64xf32, #tpu.memory_space<vmem>>
    tpu.enqueue_dma source(%dma_start3A_159 : memref<96x64xf32, #tpu.memory_space<vmem>>) target(%dma_start3A_155 : memref<96x64xf32, #tpu.memory_space<hbm>>) target_semaphore(%arg9 : memref<!tpu.dma_semaphore, #tpu.memory_space<semaphore_mem>>)
    %add3A_160 = arith.constant 0 : i32
    %add3A_161 = arith.addi %mul3A_2, %add3A_160 : i32
    %add3A_162 = arith.constant 1 : i32
    %add3A_163 = arith.addi %add3A_161, %add3A_162 : i32
    %dma_start3A_164 = arith.constant 3 : i32
    %dma_start3A_165 = arith.constant 0 : i32
    %dma_start3A_166 = arith.constant 0 : i32
    %dma_start3A_167 = tpu.memref_slice %arg6[%dma_start3A_164, %dma_start3A_165, %dma_start3A_166] : memref<8x104x64xf32, #tpu.memory_space<vmem>> -> memref<1x104x64xf32, #tpu.memory_space<vmem>>
    %dma_start3A_168 = tpu.memref_squeeze %dma_start3A_167 : memref<1x104x64xf32, #tpu.memory_space<vmem>> -> memref<104x64xf32, #tpu.memory_space<vmem>>
    %dma_start3A_169 = arith.constant 96 : i32
    %dma_start3A_170 = arith.constant 0 : i32
    %dma_start3A_171 = tpu.memref_slice %arg4[%add3A_163, %dma_start3A_169, %dma_start3A_170] : memref<4096x200x64xf32, #tpu.memory_space<hbm>> -> memref<1x104x64xf32, #tpu.memory_space<hbm>>
    %dma_start3A_172 = tpu.memref_squeeze %dma_start3A_171 : memref<1x104x64xf32, #tpu.memory_space<hbm>> -> memref<104x64xf32, #tpu.memory_space<hbm>>
    %dma_start3A_173 = arith.constant 96 : i32
    %dma_start3A_174 = arith.constant 0 : i32
    %dma_start3A_175 = tpu.memref_slice %arg4[%add3A_163, %dma_start3A_173, %dma_start3A_174] : memref<4096x200x64xf32, #tpu.memory_space<hbm>> -> memref<1x104x64xf32, #tpu.memory_space<hbm>>
    %dma_start3A_176 = tpu.memref_squeeze %dma_start3A_175 : memref<1x104x64xf32, #tpu.memory_space<hbm>> -> memref<104x64xf32, #tpu.memory_space<hbm>>
    %dma_start3A_177 = arith.constant 0 : i32
    %dma_start3A_178 = arith.constant 0 : i32
    %dma_start3A_179 = tpu.memref_slice %arg6[%dma_start3A_164, %dma_start3A_177, %dma_start3A_178] : memref<8x104x64xf32, #tpu.memory_space<vmem>> -> memref<1x104x64xf32, #tpu.memory_space<vmem>>
    %dma_start3A_180 = tpu.memref_squeeze %dma_start3A_179 : memref<1x104x64xf32, #tpu.memory_space<vmem>> -> memref<104x64xf32, #tpu.memory_space<vmem>>
    tpu.enqueue_dma source(%dma_start3A_180 : memref<104x64xf32, #tpu.memory_space<vmem>>) target(%dma_start3A_176 : memref<104x64xf32, #tpu.memory_space<hbm>>) target_semaphore(%arg9 : memref<!tpu.dma_semaphore, #tpu.memory_space<semaphore_mem>>)
    %dma_start3A_181 = arith.constant 2 : i32
    %dma_start3A_182 = arith.constant 4 : i32
    %dma_start3A_183 = arith.constant 0 : i32
    %dma_start3A_184 = arith.constant 0 : i32
    %dma_start3A_185 = tpu.memref_slice %arg6[%dma_start3A_182, %dma_start3A_183, %dma_start3A_184] : memref<8x104x64xf32, #tpu.memory_space<vmem>> -> memref<1x96x64xf32, #tpu.memory_space<vmem>>
    %dma_start3A_186 = tpu.memref_squeeze %dma_start3A_185 : memref<1x96x64xf32, #tpu.memory_space<vmem>> -> memref<96x64xf32, #tpu.memory_space<vmem>>
    %dma_start3A_187 = arith.constant 0 : i32
    %dma_start3A_188 = tpu.memref_slice %arg5[%dma_start3A_181, %dma_start3A_187] : memref<128x200xi32, #tpu.memory_space<vmem>> -> memref<1x96xi32, #tpu.memory_space<vmem>>
    %dma_start3A_189 = tpu.memref_squeeze %dma_start3A_188 : memref<1x96xi32, #tpu.memory_space<vmem>> -> memref<96xi32, #tpu.memory_space<vmem>>
    %dma_start3A_190 = arith.constant 0 : i32
    %dma_start3A_191 = arith.constant 0 : i32
    %dma_start3A_192 = tpu.memref_slice %arg2[%dma_start3A_190, %dma_start3A_191] : memref<1000000x64xf32, #tpu.memory_space<hbm>> -> memref<1000000x64xf32, #tpu.memory_space<hbm>>
    tpu.enqueue_indirect_dma source(%dma_start3A_192 : memref<1000000x64xf32, #tpu.memory_space<hbm>>) target(%dma_start3A_186 : memref<96x64xf32, #tpu.memory_space<vmem>>) offsets(%dma_start3A_189 : memref<96xi32, #tpu.memory_space<vmem>>) semaphore(%arg8 : memref<!tpu.dma_semaphore, #tpu.memory_space<semaphore_mem>>)
    %dma_start3A_193 = arith.constant 2 : i32
    %dma_start3A_194 = arith.constant 5 : i32
    %dma_start3A_195 = arith.constant 0 : i32
    %dma_start3A_196 = arith.constant 0 : i32
    %dma_start3A_197 = tpu.memref_slice %arg6[%dma_start3A_194, %dma_start3A_195, %dma_start3A_196] : memref<8x104x64xf32, #tpu.memory_space<vmem>> -> memref<1x104x64xf32, #tpu.memory_space<vmem>>
    %dma_start3A_198 = tpu.memref_squeeze %dma_start3A_197 : memref<1x104x64xf32, #tpu.memory_space<vmem>> -> memref<104x64xf32, #tpu.memory_space<vmem>>
    %dma_start3A_199 = arith.constant 96 : i32
    %dma_start3A_200 = tpu.memref_slice %arg5[%dma_start3A_193, %dma_start3A_199] : memref<128x200xi32, #tpu.memory_space<vmem>> -> memref<1x104xi32, #tpu.memory_space<vmem>>
    %dma_start3A_201 = tpu.memref_squeeze %dma_start3A_200 : memref<1x104xi32, #tpu.memory_space<vmem>> -> memref<104xi32, #tpu.memory_space<vmem>>
    %dma_start3A_202 = arith.constant 0 : i32
    %dma_start3A_203 = arith.constant 0 : i32
    %dma_start3A_204 = tpu.memref_slice %arg2[%dma_start3A_202, %dma_start3A_203] : memref<1000000x64xf32, #tpu.memory_space<hbm>> -> memref<1000000x64xf32, #tpu.memory_space<hbm>>
    tpu.enqueue_indirect_dma source(%dma_start3A_204 : memref<1000000x64xf32, #tpu.memory_space<hbm>>) target(%dma_start3A_198 : memref<104x64xf32, #tpu.memory_space<vmem>>) offsets(%dma_start3A_201 : memref<104xi32, #tpu.memory_space<vmem>>) semaphore(%arg8 : memref<!tpu.dma_semaphore, #tpu.memory_space<semaphore_mem>>)
    %dma_start3A_205 = arith.constant 3 : i32
    %dma_start3A_206 = arith.constant 6 : i32
    %dma_start3A_207 = arith.constant 0 : i32
    %dma_start3A_208 = arith.constant 0 : i32
    %dma_start3A_209 = tpu.memref_slice %arg6[%dma_start3A_206, %dma_start3A_207, %dma_start3A_208] : memref<8x104x64xf32, #tpu.memory_space<vmem>> -> memref<1x96x64xf32, #tpu.memory_space<vmem>>
    %dma_start3A_210 = tpu.memref_squeeze %dma_start3A_209 : memref<1x96x64xf32, #tpu.memory_space<vmem>> -> memref<96x64xf32, #tpu.memory_space<vmem>>
    %dma_start3A_211 = arith.constant 0 : i32
    %dma_start3A_212 = tpu.memref_slice %arg5[%dma_start3A_205, %dma_start3A_211] : memref<128x200xi32, #tpu.memory_space<vmem>> -> memref<1x96xi32, #tpu.memory_space<vmem>>
    %dma_start3A_213 = tpu.memref_squeeze %dma_start3A_212 : memref<1x96xi32, #tpu.memory_space<vmem>> -> memref<96xi32, #tpu.memory_space<vmem>>
    %dma_start3A_214 = arith.constant 0 : i32
    %dma_start3A_215 = arith.constant 0 : i32
    %dma_start3A_216 = tpu.memref_slice %arg2[%dma_start3A_214, %dma_start3A_215] : memref<1000000x64xf32, #tpu.memory_space<hbm>> -> memref<1000000x64xf32, #tpu.memory_space<hbm>>
    tpu.enqueue_indirect_dma source(%dma_start3A_216 : memref<1000000x64xf32, #tpu.memory_space<hbm>>) target(%dma_start3A_210 : memref<96x64xf32, #tpu.memory_space<vmem>>) offsets(%dma_start3A_213 : memref<96xi32, #tpu.memory_space<vmem>>) semaphore(%arg8 : memref<!tpu.dma_semaphore, #tpu.memory_space<semaphore_mem>>)
    %dma_start3A_217 = arith.constant 3 : i32
    %dma_start3A_218 = arith.constant 7 : i32
    %dma_start3A_219 = arith.constant 0 : i32
    %dma_start3A_220 = arith.constant 0 : i32
    %dma_start3A_221 = tpu.memref_slice %arg6[%dma_start3A_218, %dma_start3A_219, %dma_start3A_220] : memref<8x104x64xf32, #tpu.memory_space<vmem>> -> memref<1x104x64xf32, #tpu.memory_space<vmem>>
    %dma_start3A_222 = tpu.memref_squeeze %dma_start3A_221 : memref<1x104x64xf32, #tpu.memory_space<vmem>> -> memref<104x64xf32, #tpu.memory_space<vmem>>
    %dma_start3A_223 = arith.constant 96 : i32
    %dma_start3A_224 = tpu.memref_slice %arg5[%dma_start3A_217, %dma_start3A_223] : memref<128x200xi32, #tpu.memory_space<vmem>> -> memref<1x104xi32, #tpu.memory_space<vmem>>
    %dma_start3A_225 = tpu.memref_squeeze %dma_start3A_224 : memref<1x104xi32, #tpu.memory_space<vmem>> -> memref<104xi32, #tpu.memory_space<vmem>>
    %dma_start3A_226 = arith.constant 0 : i32
    %dma_start3A_227 = arith.constant 0 : i32
    %dma_start3A_228 = tpu.memref_slice %arg2[%dma_start3A_226, %dma_start3A_227] : memref<1000000x64xf32, #tpu.memory_space<hbm>> -> memref<1000000x64xf32, #tpu.memory_space<hbm>>
    tpu.enqueue_indirect_dma source(%dma_start3A_228 : memref<1000000x64xf32, #tpu.memory_space<hbm>>) target(%dma_start3A_222 : memref<104x64xf32, #tpu.memory_space<vmem>>) offsets(%dma_start3A_225 : memref<104xi32, #tpu.memory_space<vmem>>) semaphore(%arg8 : memref<!tpu.dma_semaphore, #tpu.memory_space<semaphore_mem>>)
    %scan3A = arith.constant 0 : i32
    %scan3A_229 = arith.constant 0 : i32
    %scan3A_230 = arith.constant 31 : i32
    %scan3A_231 = arith.addi %scan3A_229, %scan3A_230 : i32
    %scan3A_232 = arith.constant 1 : i32
    scf.for %scan3A_502 = %scan3A_229 to %scan3A_231 step %scan3A_232  : i32 {
      %mul3A_503 = arith.constant 2 : i32
      %mul3A_504 = arith.muli %mul3A_503, %scan3A_502 : i32
      %add3A_505 = arith.constant 1 : i32
      %add3A_506 = arith.addi %mul3A_504, %add3A_505 : i32
      %dma_wait3A_507 = arith.constant 0 : i32
      %dma_wait3A_508 = arith.constant 4 : i32
      %dma_wait3A_509 = arith.constant 0 : i32
      %dma_wait3A_510 = arith.constant 0 : i32
      %dma_wait3A_511 = tpu.memref_slice %arg6[%dma_wait3A_508, %dma_wait3A_509, %dma_wait3A_510] : memref<8x104x64xf32, #tpu.memory_space<vmem>> -> memref<1x96x64xf32, #tpu.memory_space<vmem>>
      %dma_wait3A_512 = tpu.memref_squeeze %dma_wait3A_511 : memref<1x96x64xf32, #tpu.memory_space<vmem>> -> memref<96x64xf32, #tpu.memory_space<vmem>>
      %dma_wait3A_513 = arith.constant 0 : i32
      %dma_wait3A_514 = tpu.memref_slice %arg5[%dma_wait3A_507, %dma_wait3A_513] : memref<128x200xi32, #tpu.memory_space<vmem>> -> memref<1x96xi32, #tpu.memory_space<vmem>>
      %dma_wait3A_515 = tpu.memref_squeeze %dma_wait3A_514 : memref<1x96xi32, #tpu.memory_space<vmem>> -> memref<96xi32, #tpu.memory_space<vmem>>
      %dma_wait3A_516 = arith.constant 0 : i32
      %dma_wait3A_517 = arith.constant 0 : i32
      %dma_wait3A_518 = tpu.memref_slice %arg2[%dma_wait3A_516, %dma_wait3A_517] : memref<1000000x64xf32, #tpu.memory_space<hbm>> -> memref<1000000x64xf32, #tpu.memory_space<hbm>>
      tpu.wait_indirect_dma semaphore(%arg8 : memref<!tpu.dma_semaphore, #tpu.memory_space<semaphore_mem>>) src(%dma_wait3A_518 : memref<1000000x64xf32, #tpu.memory_space<hbm>>) dst(%dma_wait3A_512 : memref<96x64xf32, #tpu.memory_space<vmem>>)
      %dma_wait3A_519 = arith.constant 0 : i32
      %dma_wait3A_520 = arith.constant 5 : i32
      %dma_wait3A_521 = arith.constant 0 : i32
      %dma_wait3A_522 = arith.constant 0 : i32
      %dma_wait3A_523 = tpu.memref_slice %arg6[%dma_wait3A_520, %dma_wait3A_521, %dma_wait3A_522] : memref<8x104x64xf32, #tpu.memory_space<vmem>> -> memref<1x104x64xf32, #tpu.memory_space<vmem>>
      %dma_wait3A_524 = tpu.memref_squeeze %dma_wait3A_523 : memref<1x104x64xf32, #tpu.memory_space<vmem>> -> memref<104x64xf32, #tpu.memory_space<vmem>>
      %dma_wait3A_525 = arith.constant 0 : i32
      %dma_wait3A_526 = tpu.memref_slice %arg5[%dma_wait3A_519, %dma_wait3A_525] : memref<128x200xi32, #tpu.memory_space<vmem>> -> memref<1x104xi32, #tpu.memory_space<vmem>>
      %dma_wait3A_527 = tpu.memref_squeeze %dma_wait3A_526 : memref<1x104xi32, #tpu.memory_space<vmem>> -> memref<104xi32, #tpu.memory_space<vmem>>
      %dma_wait3A_528 = arith.constant 0 : i32
      %dma_wait3A_529 = arith.constant 0 : i32
      %dma_wait3A_530 = tpu.memref_slice %arg2[%dma_wait3A_528, %dma_wait3A_529] : memref<1000000x64xf32, #tpu.memory_space<hbm>> -> memref<1000000x64xf32, #tpu.memory_space<hbm>>
      tpu.wait_indirect_dma semaphore(%arg8 : memref<!tpu.dma_semaphore, #tpu.memory_space<semaphore_mem>>) src(%dma_wait3A_530 : memref<1000000x64xf32, #tpu.memory_space<hbm>>) dst(%dma_wait3A_524 : memref<104x64xf32, #tpu.memory_space<vmem>>)
      %dma_wait3A_531 = arith.constant 0 : i32
      %dma_wait3A_532 = arith.constant 6 : i32
      %dma_wait3A_533 = arith.constant 0 : i32
      %dma_wait3A_534 = arith.constant 0 : i32
      %dma_wait3A_535 = tpu.memref_slice %arg6[%dma_wait3A_532, %dma_wait3A_533, %dma_wait3A_534] : memref<8x104x64xf32, #tpu.memory_space<vmem>> -> memref<1x96x64xf32, #tpu.memory_space<vmem>>
      %dma_wait3A_536 = tpu.memref_squeeze %dma_wait3A_535 : memref<1x96x64xf32, #tpu.memory_space<vmem>> -> memref<96x64xf32, #tpu.memory_space<vmem>>
      %dma_wait3A_537 = arith.constant 0 : i32
      %dma_wait3A_538 = tpu.memref_slice %arg5[%dma_wait3A_531, %dma_wait3A_537] : memref<128x200xi32, #tpu.memory_space<vmem>> -> memref<1x96xi32, #tpu.memory_space<vmem>>
      %dma_wait3A_539 = tpu.memref_squeeze %dma_wait3A_538 : memref<1x96xi32, #tpu.memory_space<vmem>> -> memref<96xi32, #tpu.memory_space<vmem>>
      %dma_wait3A_540 = arith.constant 0 : i32
      %dma_wait3A_541 = arith.constant 0 : i32
      %dma_wait3A_542 = tpu.memref_slice %arg2[%dma_wait3A_540, %dma_wait3A_541] : memref<1000000x64xf32, #tpu.memory_space<hbm>> -> memref<1000000x64xf32, #tpu.memory_space<hbm>>
      tpu.wait_indirect_dma semaphore(%arg8 : memref<!tpu.dma_semaphore, #tpu.memory_space<semaphore_mem>>) src(%dma_wait3A_542 : memref<1000000x64xf32, #tpu.memory_space<hbm>>) dst(%dma_wait3A_536 : memref<96x64xf32, #tpu.memory_space<vmem>>)
      %dma_wait3A_543 = arith.constant 0 : i32
      %dma_wait3A_544 = arith.constant 7 : i32
      %dma_wait3A_545 = arith.constant 0 : i32
      %dma_wait3A_546 = arith.constant 0 : i32
      %dma_wait3A_547 = tpu.memref_slice %arg6[%dma_wait3A_544, %dma_wait3A_545, %dma_wait3A_546] : memref<8x104x64xf32, #tpu.memory_space<vmem>> -> memref<1x104x64xf32, #tpu.memory_space<vmem>>
      %dma_wait3A_548 = tpu.memref_squeeze %dma_wait3A_547 : memref<1x104x64xf32, #tpu.memory_space<vmem>> -> memref<104x64xf32, #tpu.memory_space<vmem>>
      %dma_wait3A_549 = arith.constant 0 : i32
      %dma_wait3A_550 = tpu.memref_slice %arg5[%dma_wait3A_543, %dma_wait3A_549] : memref<128x200xi32, #tpu.memory_space<vmem>> -> memref<1x104xi32, #tpu.memory_space<vmem>>
      %dma_wait3A_551 = tpu.memref_squeeze %dma_wait3A_550 : memref<1x104xi32, #tpu.memory_space<vmem>> -> memref<104xi32, #tpu.memory_space<vmem>>
      %dma_wait3A_552 = arith.constant 0 : i32
      %dma_wait3A_553 = arith.constant 0 : i32
      %dma_wait3A_554 = tpu.memref_slice %arg2[%dma_wait3A_552, %dma_wait3A_553] : memref<1000000x64xf32, #tpu.memory_space<hbm>> -> memref<1000000x64xf32, #tpu.memory_space<hbm>>
      tpu.wait_indirect_dma semaphore(%arg8 : memref<!tpu.dma_semaphore, #tpu.memory_space<semaphore_mem>>) src(%dma_wait3A_554 : memref<1000000x64xf32, #tpu.memory_space<hbm>>) dst(%dma_wait3A_548 : memref<104x64xf32, #tpu.memory_space<vmem>>)
      %mul3A_555 = arith.constant 2 : i32
      %mul3A_556 = arith.muli %mul3A_555, %add3A_506 : i32
      %add3A_557 = arith.addi %mul3A_2, %mul3A_556 : i32
      %add3A_558 = arith.constant 0 : i32
      %add3A_559 = arith.addi %add3A_557, %add3A_558 : i32
      %dma_start3A_560 = arith.constant 4 : i32
      %dma_start3A_561 = arith.constant 0 : i32
      %dma_start3A_562 = arith.constant 0 : i32
      %dma_start3A_563 = tpu.memref_slice %arg6[%dma_start3A_560, %dma_start3A_561, %dma_start3A_562] : memref<8x104x64xf32, #tpu.memory_space<vmem>> -> memref<1x96x64xf32, #tpu.memory_space<vmem>>
      %dma_start3A_564 = tpu.memref_squeeze %dma_start3A_563 : memref<1x96x64xf32, #tpu.memory_space<vmem>> -> memref<96x64xf32, #tpu.memory_space<vmem>>
      %dma_start3A_565 = arith.constant 0 : i32
      %dma_start3A_566 = arith.constant 0 : i32
      %dma_start3A_567 = tpu.memref_slice %arg4[%add3A_559, %dma_start3A_565, %dma_start3A_566] : memref<4096x200x64xf32, #tpu.memory_space<hbm>> -> memref<1x96x64xf32, #tpu.memory_space<hbm>>
      %dma_start3A_568 = tpu.memref_squeeze %dma_start3A_567 : memref<1x96x64xf32, #tpu.memory_space<hbm>> -> memref<96x64xf32, #tpu.memory_space<hbm>>
      %dma_start3A_569 = arith.constant 0 : i32
      %dma_start3A_570 = arith.constant 0 : i32
      %dma_start3A_571 = tpu.memref_slice %arg4[%add3A_559, %dma_start3A_569, %dma_start3A_570] : memref<4096x200x64xf32, #tpu.memory_space<hbm>> -> memref<1x96x64xf32, #tpu.memory_space<hbm>>
      %dma_start3A_572 = tpu.memref_squeeze %dma_start3A_571 : memref<1x96x64xf32, #tpu.memory_space<hbm>> -> memref<96x64xf32, #tpu.memory_space<hbm>>
      %dma_start3A_573 = arith.constant 0 : i32
      %dma_start3A_574 = arith.constant 0 : i32
      %dma_start3A_575 = tpu.memref_slice %arg6[%dma_start3A_560, %dma_start3A_573, %dma_start3A_574] : memref<8x104x64xf32, #tpu.memory_space<vmem>> -> memref<1x96x64xf32, #tpu.memory_space<vmem>>
      %dma_start3A_576 = tpu.memref_squeeze %dma_start3A_575 : memref<1x96x64xf32, #tpu.memory_space<vmem>> -> memref<96x64xf32, #tpu.memory_space<vmem>>
      tpu.enqueue_dma source(%dma_start3A_576 : memref<96x64xf32, #tpu.memory_space<vmem>>) target(%dma_start3A_572 : memref<96x64xf32, #tpu.memory_space<hbm>>) target_semaphore(%arg10 : memref<!tpu.dma_semaphore, #tpu.memory_space<semaphore_mem>>)
      %mul3A_577 = arith.constant 2 : i32
      %mul3A_578 = arith.muli %mul3A_577, %add3A_506 : i32
      %add3A_579 = arith.addi %mul3A_2, %mul3A_578 : i32
      %add3A_580 = arith.constant 0 : i32
      %add3A_581 = arith.addi %add3A_579, %add3A_580 : i32
      %dma_start3A_582 = arith.constant 5 : i32
      %dma_start3A_583 = arith.constant 0 : i32
      %dma_start3A_584 = arith.constant 0 : i32
      %dma_start3A_585 = tpu.memref_slice %arg6[%dma_start3A_582, %dma_start3A_583, %dma_start3A_584] : memref<8x104x64xf32, #tpu.memory_space<vmem>> -> memref<1x104x64xf32, #tpu.memory_space<vmem>>
      %dma_start3A_586 = tpu.memref_squeeze %dma_start3A_585 : memref<1x104x64xf32, #tpu.memory_space<vmem>> -> memref<104x64xf32, #tpu.memory_space<vmem>>
      %dma_start3A_587 = arith.constant 96 : i32
      %dma_start3A_588 = arith.constant 0 : i32
      %dma_start3A_589 = tpu.memref_slice %arg4[%add3A_581, %dma_start3A_587, %dma_start3A_588] : memref<4096x200x64xf32, #tpu.memory_space<hbm>> -> memref<1x104x64xf32, #tpu.memory_space<hbm>>
      %dma_start3A_590 = tpu.memref_squeeze %dma_start3A_589 : memref<1x104x64xf32, #tpu.memory_space<hbm>> -> memref<104x64xf32, #tpu.memory_space<hbm>>
      %dma_start3A_591 = arith.constant 96 : i32
      %dma_start3A_592 = arith.constant 0 : i32
      %dma_start3A_593 = tpu.memref_slice %arg4[%add3A_581, %dma_start3A_591, %dma_start3A_592] : memref<4096x200x64xf32, #tpu.memory_space<hbm>> -> memref<1x104x64xf32, #tpu.memory_space<hbm>>
      %dma_start3A_594 = tpu.memref_squeeze %dma_start3A_593 : memref<1x104x64xf32, #tpu.memory_space<hbm>> -> memref<104x64xf32, #tpu.memory_space<hbm>>
      %dma_start3A_595 = arith.constant 0 : i32
      %dma_start3A_596 = arith.constant 0 : i32
      %dma_start3A_597 = tpu.memref_slice %arg6[%dma_start3A_582, %dma_start3A_595, %dma_start3A_596] : memref<8x104x64xf32, #tpu.memory_space<vmem>> -> memref<1x104x64xf32, #tpu.memory_space<vmem>>
      %dma_start3A_598 = tpu.memref_squeeze %dma_start3A_597 : memref<1x104x64xf32, #tpu.memory_space<vmem>> -> memref<104x64xf32, #tpu.memory_space<vmem>>
      tpu.enqueue_dma source(%dma_start3A_598 : memref<104x64xf32, #tpu.memory_space<vmem>>) target(%dma_start3A_594 : memref<104x64xf32, #tpu.memory_space<hbm>>) target_semaphore(%arg10 : memref<!tpu.dma_semaphore, #tpu.memory_space<semaphore_mem>>)
      %mul3A_599 = arith.constant 2 : i32
      %mul3A_600 = arith.muli %mul3A_599, %add3A_506 : i32
      %add3A_601 = arith.addi %mul3A_2, %mul3A_600 : i32
      %add3A_602 = arith.constant 1 : i32
      %add3A_603 = arith.addi %add3A_601, %add3A_602 : i32
      %dma_start3A_604 = arith.constant 6 : i32
      %dma_start3A_605 = arith.constant 0 : i32
      %dma_start3A_606 = arith.constant 0 : i32
      %dma_start3A_607 = tpu.memref_slice %arg6[%dma_start3A_604, %dma_start3A_605, %dma_start3A_606] : memref<8x104x64xf32, #tpu.memory_space<vmem>> -> memref<1x96x64xf32, #tpu.memory_space<vmem>>
      %dma_start3A_608 = tpu.memref_squeeze %dma_start3A_607 : memref<1x96x64xf32, #tpu.memory_space<vmem>> -> memref<96x64xf32, #tpu.memory_space<vmem>>
      %dma_start3A_609 = arith.constant 0 : i32
      %dma_start3A_610 = arith.constant 0 : i32
      %dma_start3A_611 = tpu.memref_slice %arg4[%add3A_603, %dma_start3A_609, %dma_start3A_610] : memref<4096x200x64xf32, #tpu.memory_space<hbm>> -> memref<1x96x64xf32, #tpu.memory_space<hbm>>
      %dma_start3A_612 = tpu.memref_squeeze %dma_start3A_611 : memref<1x96x64xf32, #tpu.memory_space<hbm>> -> memref<96x64xf32, #tpu.memory_space<hbm>>
      %dma_start3A_613 = arith.constant 0 : i32
      %dma_start3A_614 = arith.constant 0 : i32
      %dma_start3A_615 = tpu.memref_slice %arg4[%add3A_603, %dma_start3A_613, %dma_start3A_614] : memref<4096x200x64xf32, #tpu.memory_space<hbm>> -> memref<1x96x64xf32, #tpu.memory_space<hbm>>
      %dma_start3A_616 = tpu.memref_squeeze %dma_start3A_615 : memref<1x96x64xf32, #tpu.memory_space<hbm>> -> memref<96x64xf32, #tpu.memory_space<hbm>>
      %dma_start3A_617 = arith.constant 0 : i32
      %dma_start3A_618 = arith.constant 0 : i32
      %dma_start3A_619 = tpu.memref_slice %arg6[%dma_start3A_604, %dma_start3A_617, %dma_start3A_618] : memref<8x104x64xf32, #tpu.memory_space<vmem>> -> memref<1x96x64xf32, #tpu.memory_space<vmem>>
      %dma_start3A_620 = tpu.memref_squeeze %dma_start3A_619 : memref<1x96x64xf32, #tpu.memory_space<vmem>> -> memref<96x64xf32, #tpu.memory_space<vmem>>
      tpu.enqueue_dma source(%dma_start3A_620 : memref<96x64xf32, #tpu.memory_space<vmem>>) target(%dma_start3A_616 : memref<96x64xf32, #tpu.memory_space<hbm>>) target_semaphore(%arg10 : memref<!tpu.dma_semaphore, #tpu.memory_space<semaphore_mem>>)
      %mul3A_621 = arith.constant 2 : i32
      %mul3A_622 = arith.muli %mul3A_621, %add3A_506 : i32
      %add3A_623 = arith.addi %mul3A_2, %mul3A_622 : i32
      %add3A_624 = arith.constant 1 : i32
      %add3A_625 = arith.addi %add3A_623, %add3A_624 : i32
      %dma_start3A_626 = arith.constant 7 : i32
      %dma_start3A_627 = arith.constant 0 : i32
      %dma_start3A_628 = arith.constant 0 : i32
      %dma_start3A_629 = tpu.memref_slice %arg6[%dma_start3A_626, %dma_start3A_627, %dma_start3A_628] : memref<8x104x64xf32, #tpu.memory_space<vmem>> -> memref<1x104x64xf32, #tpu.memory_space<vmem>>
      %dma_start3A_630 = tpu.memref_squeeze %dma_start3A_629 : memref<1x104x64xf32, #tpu.memory_space<vmem>> -> memref<104x64xf32, #tpu.memory_space<vmem>>
      %dma_start3A_631 = arith.constant 96 : i32
      %dma_start3A_632 = arith.constant 0 : i32
      %dma_start3A_633 = tpu.memref_slice %arg4[%add3A_625, %dma_start3A_631, %dma_start3A_632] : memref<4096x200x64xf32, #tpu.memory_space<hbm>> -> memref<1x104x64xf32, #tpu.memory_space<hbm>>
      %dma_start3A_634 = tpu.memref_squeeze %dma_start3A_633 : memref<1x104x64xf32, #tpu.memory_space<hbm>> -> memref<104x64xf32, #tpu.memory_space<hbm>>
      %dma_start3A_635 = arith.constant 96 : i32
      %dma_start3A_636 = arith.constant 0 : i32
      %dma_start3A_637 = tpu.memref_slice %arg4[%add3A_625, %dma_start3A_635, %dma_start3A_636] : memref<4096x200x64xf32, #tpu.memory_space<hbm>> -> memref<1x104x64xf32, #tpu.memory_space<hbm>>
      %dma_start3A_638 = tpu.memref_squeeze %dma_start3A_637 : memref<1x104x64xf32, #tpu.memory_space<hbm>> -> memref<104x64xf32, #tpu.memory_space<hbm>>
      %dma_start3A_639 = arith.constant 0 : i32
      %dma_start3A_640 = arith.constant 0 : i32
      %dma_start3A_641 = tpu.memref_slice %arg6[%dma_start3A_626, %dma_start3A_639, %dma_start3A_640] : memref<8x104x64xf32, #tpu.memory_space<vmem>> -> memref<1x104x64xf32, #tpu.memory_space<vmem>>
      %dma_start3A_642 = tpu.memref_squeeze %dma_start3A_641 : memref<1x104x64xf32, #tpu.memory_space<vmem>> -> memref<104x64xf32, #tpu.memory_space<vmem>>
      tpu.enqueue_dma source(%dma_start3A_642 : memref<104x64xf32, #tpu.memory_space<vmem>>) target(%dma_start3A_638 : memref<104x64xf32, #tpu.memory_space<hbm>>) target_semaphore(%arg10 : memref<!tpu.dma_semaphore, #tpu.memory_space<semaphore_mem>>)
      %dma_wait3A_643 = arith.constant 0 : i32
      %dma_wait3A_644 = arith.constant 0 : i32
      %dma_wait3A_645 = arith.constant 0 : i32
      %dma_wait3A_646 = tpu.memref_slice %arg6[%dma_wait3A_643, %dma_wait3A_644, %dma_wait3A_645] : memref<8x104x64xf32, #tpu.memory_space<vmem>> -> memref<1x96x64xf32, #tpu.memory_space<vmem>>
      %dma_wait3A_647 = tpu.memref_squeeze %dma_wait3A_646 : memref<1x96x64xf32, #tpu.memory_space<vmem>> -> memref<96x64xf32, #tpu.memory_space<vmem>>
      %dma_wait3A_648 = arith.constant 0 : i32
      %dma_wait3A_649 = arith.constant 0 : i32
      %dma_wait3A_650 = tpu.memref_slice %arg4[%mul3A_2, %dma_wait3A_648, %dma_wait3A_649] : memref<4096x200x64xf32, #tpu.memory_space<hbm>> -> memref<1x96x64xf32, #tpu.memory_space<hbm>>
      %dma_wait3A_651 = tpu.memref_squeeze %dma_wait3A_650 : memref<1x96x64xf32, #tpu.memory_space<hbm>> -> memref<96x64xf32, #tpu.memory_space<hbm>>
      %dma_wait3A_652 = arith.constant 0 : i32
      %dma_wait3A_653 = arith.constant 0 : i32
      %dma_wait3A_654 = tpu.memref_slice %arg4[%mul3A_2, %dma_wait3A_652, %dma_wait3A_653] : memref<4096x200x64xf32, #tpu.memory_space<hbm>> -> memref<1x96x64xf32, #tpu.memory_space<hbm>>
      %dma_wait3A_655 = tpu.memref_squeeze %dma_wait3A_654 : memref<1x96x64xf32, #tpu.memory_space<hbm>> -> memref<96x64xf32, #tpu.memory_space<hbm>>
      %dma_wait3A_656 = arith.constant 0 : i32
      %dma_wait3A_657 = arith.constant 0 : i32
      %dma_wait3A_658 = tpu.memref_slice %arg6[%dma_wait3A_643, %dma_wait3A_656, %dma_wait3A_657] : memref<8x104x64xf32, #tpu.memory_space<vmem>> -> memref<1x96x64xf32, #tpu.memory_space<vmem>>
      %dma_wait3A_659 = tpu.memref_squeeze %dma_wait3A_658 : memref<1x96x64xf32, #tpu.memory_space<vmem>> -> memref<96x64xf32, #tpu.memory_space<vmem>>
      tpu.wait_dma2 semaphore(%arg9 : memref<!tpu.dma_semaphore, #tpu.memory_space<semaphore_mem>>) src(%dma_wait3A_659 : memref<96x64xf32, #tpu.memory_space<vmem>>) dst(%dma_wait3A_655 : memref<96x64xf32, #tpu.memory_space<hbm>>)
      %dma_wait3A_660 = arith.constant 1 : i32
      %dma_wait3A_661 = arith.constant 0 : i32
      %dma_wait3A_662 = arith.constant 0 : i32
      %dma_wait3A_663 = tpu.memref_slice %arg6[%dma_wait3A_660, %dma_wait3A_661, %dma_wait3A_662] : memref<8x104x64xf32, #tpu.memory_space<vmem>> -> memref<1x104x64xf32, #tpu.memory_space<vmem>>
      %dma_wait3A_664 = tpu.memref_squeeze %dma_wait3A_663 : memref<1x104x64xf32, #tpu.memory_space<vmem>> -> memref<104x64xf32, #tpu.memory_space<vmem>>
      %dma_wait3A_665 = arith.constant 96 : i32
      %dma_wait3A_666 = arith.constant 0 : i32
      %dma_wait3A_667 = tpu.memref_slice %arg4[%mul3A_2, %dma_wait3A_665, %dma_wait3A_666] : memref<4096x200x64xf32, #tpu.memory_space<hbm>> -> memref<1x104x64xf32, #tpu.memory_space<hbm>>
      %dma_wait3A_668 = tpu.memref_squeeze %dma_wait3A_667 : memref<1x104x64xf32, #tpu.memory_space<hbm>> -> memref<104x64xf32, #tpu.memory_space<hbm>>
      %dma_wait3A_669 = arith.constant 96 : i32
      %dma_wait3A_670 = arith.constant 0 : i32
      %dma_wait3A_671 = tpu.memref_slice %arg4[%mul3A_2, %dma_wait3A_669, %dma_wait3A_670] : memref<4096x200x64xf32, #tpu.memory_space<hbm>> -> memref<1x104x64xf32, #tpu.memory_space<hbm>>
      %dma_wait3A_672 = tpu.memref_squeeze %dma_wait3A_671 : memref<1x104x64xf32, #tpu.memory_space<hbm>> -> memref<104x64xf32, #tpu.memory_space<hbm>>
      %dma_wait3A_673 = arith.constant 0 : i32
      %dma_wait3A_674 = arith.constant 0 : i32
      %dma_wait3A_675 = tpu.memref_slice %arg6[%dma_wait3A_660, %dma_wait3A_673, %dma_wait3A_674] : memref<8x104x64xf32, #tpu.memory_space<vmem>> -> memref<1x104x64xf32, #tpu.memory_space<vmem>>
      %dma_wait3A_676 = tpu.memref_squeeze %dma_wait3A_675 : memref<1x104x64xf32, #tpu.memory_space<vmem>> -> memref<104x64xf32, #tpu.memory_space<vmem>>
      tpu.wait_dma2 semaphore(%arg9 : memref<!tpu.dma_semaphore, #tpu.memory_space<semaphore_mem>>) src(%dma_wait3A_676 : memref<104x64xf32, #tpu.memory_space<vmem>>) dst(%dma_wait3A_672 : memref<104x64xf32, #tpu.memory_space<hbm>>)
      %dma_wait3A_677 = arith.constant 2 : i32
      %dma_wait3A_678 = arith.constant 0 : i32
      %dma_wait3A_679 = arith.constant 0 : i32
      %dma_wait3A_680 = tpu.memref_slice %arg6[%dma_wait3A_677, %dma_wait3A_678, %dma_wait3A_679] : memref<8x104x64xf32, #tpu.memory_space<vmem>> -> memref<1x96x64xf32, #tpu.memory_space<vmem>>
      %dma_wait3A_681 = tpu.memref_squeeze %dma_wait3A_680 : memref<1x96x64xf32, #tpu.memory_space<vmem>> -> memref<96x64xf32, #tpu.memory_space<vmem>>
      %dma_wait3A_682 = arith.constant 0 : i32
      %dma_wait3A_683 = arith.constant 0 : i32
      %dma_wait3A_684 = tpu.memref_slice %arg4[%mul3A_2, %dma_wait3A_682, %dma_wait3A_683] : memref<4096x200x64xf32, #tpu.memory_space<hbm>> -> memref<1x96x64xf32, #tpu.memory_space<hbm>>
      %dma_wait3A_685 = tpu.memref_squeeze %dma_wait3A_684 : memref<1x96x64xf32, #tpu.memory_space<hbm>> -> memref<96x64xf32, #tpu.memory_space<hbm>>
      %dma_wait3A_686 = arith.constant 0 : i32
      %dma_wait3A_687 = arith.constant 0 : i32
      %dma_wait3A_688 = tpu.memref_slice %arg4[%mul3A_2, %dma_wait3A_686, %dma_wait3A_687] : memref<4096x200x64xf32, #tpu.memory_space<hbm>> -> memref<1x96x64xf32, #tpu.memory_space<hbm>>
      %dma_wait3A_689 = tpu.memref_squeeze %dma_wait3A_688 : memref<1x96x64xf32, #tpu.memory_space<hbm>> -> memref<96x64xf32, #tpu.memory_space<hbm>>
      %dma_wait3A_690 = arith.constant 0 : i32
      %dma_wait3A_691 = arith.constant 0 : i32
      %dma_wait3A_692 = tpu.memref_slice %arg6[%dma_wait3A_677, %dma_wait3A_690, %dma_wait3A_691] : memref<8x104x64xf32, #tpu.memory_space<vmem>> -> memref<1x96x64xf32, #tpu.memory_space<vmem>>
      %dma_wait3A_693 = tpu.memref_squeeze %dma_wait3A_692 : memref<1x96x64xf32, #tpu.memory_space<vmem>> -> memref<96x64xf32, #tpu.memory_space<vmem>>
      tpu.wait_dma2 semaphore(%arg9 : memref<!tpu.dma_semaphore, #tpu.memory_space<semaphore_mem>>) src(%dma_wait3A_693 : memref<96x64xf32, #tpu.memory_space<vmem>>) dst(%dma_wait3A_689 : memref<96x64xf32, #tpu.memory_space<hbm>>)
      %dma_wait3A_694 = arith.constant 3 : i32
      %dma_wait3A_695 = arith.constant 0 : i32
      %dma_wait3A_696 = arith.constant 0 : i32
      %dma_wait3A_697 = tpu.memref_slice %arg6[%dma_wait3A_694, %dma_wait3A_695, %dma_wait3A_696] : memref<8x104x64xf32, #tpu.memory_space<vmem>> -> memref<1x104x64xf32, #tpu.memory_space<vmem>>
      %dma_wait3A_698 = tpu.memref_squeeze %dma_wait3A_697 : memref<1x104x64xf32, #tpu.memory_space<vmem>> -> memref<104x64xf32, #tpu.memory_space<vmem>>
      %dma_wait3A_699 = arith.constant 96 : i32
      %dma_wait3A_700 = arith.constant 0 : i32
      %dma_wait3A_701 = tpu.memref_slice %arg4[%mul3A_2, %dma_wait3A_699, %dma_wait3A_700] : memref<4096x200x64xf32, #tpu.memory_space<hbm>> -> memref<1x104x64xf32, #tpu.memory_space<hbm>>
      %dma_wait3A_702 = tpu.memref_squeeze %dma_wait3A_701 : memref<1x104x64xf32, #tpu.memory_space<hbm>> -> memref<104x64xf32, #tpu.memory_space<hbm>>
      %dma_wait3A_703 = arith.constant 96 : i32
      %dma_wait3A_704 = arith.constant 0 : i32
      %dma_wait3A_705 = tpu.memref_slice %arg4[%mul3A_2, %dma_wait3A_703, %dma_wait3A_704] : memref<4096x200x64xf32, #tpu.memory_space<hbm>> -> memref<1x104x64xf32, #tpu.memory_space<hbm>>
      %dma_wait3A_706 = tpu.memref_squeeze %dma_wait3A_705 : memref<1x104x64xf32, #tpu.memory_space<hbm>> -> memref<104x64xf32, #tpu.memory_space<hbm>>
      %dma_wait3A_707 = arith.constant 0 : i32
      %dma_wait3A_708 = arith.constant 0 : i32
      %dma_wait3A_709 = tpu.memref_slice %arg6[%dma_wait3A_694, %dma_wait3A_707, %dma_wait3A_708] : memref<8x104x64xf32, #tpu.memory_space<vmem>> -> memref<1x104x64xf32, #tpu.memory_space<vmem>>
      %dma_wait3A_710 = tpu.memref_squeeze %dma_wait3A_709 : memref<1x104x64xf32, #tpu.memory_space<vmem>> -> memref<104x64xf32, #tpu.memory_space<vmem>>
      tpu.wait_dma2 semaphore(%arg9 : memref<!tpu.dma_semaphore, #tpu.memory_space<semaphore_mem>>) src(%dma_wait3A_710 : memref<104x64xf32, #tpu.memory_space<vmem>>) dst(%dma_wait3A_706 : memref<104x64xf32, #tpu.memory_space<hbm>>)
      %add3A_711 = arith.constant 1 : i32
      %add3A_712 = arith.addi %add3A_506, %add3A_711 : i32
      %mul3A_713 = arith.constant 2 : i32
      %mul3A_714 = arith.muli %mul3A_713, %add3A_712 : i32
      %add3A_715 = arith.constant 0 : i32
      %add3A_716 = arith.addi %mul3A_714, %add3A_715 : i32
      %dma_start3A_717 = arith.constant 0 : i32
      %dma_start3A_718 = arith.constant 0 : i32
      %dma_start3A_719 = arith.constant 0 : i32
      %dma_start3A_720 = tpu.memref_slice %arg6[%dma_start3A_717, %dma_start3A_718, %dma_start3A_719] : memref<8x104x64xf32, #tpu.memory_space<vmem>> -> memref<1x96x64xf32, #tpu.memory_space<vmem>>
      %dma_start3A_721 = tpu.memref_squeeze %dma_start3A_720 : memref<1x96x64xf32, #tpu.memory_space<vmem>> -> memref<96x64xf32, #tpu.memory_space<vmem>>
      %dma_start3A_722 = arith.constant 0 : i32
      %dma_start3A_723 = tpu.memref_slice %arg5[%add3A_716, %dma_start3A_722] : memref<128x200xi32, #tpu.memory_space<vmem>> -> memref<1x96xi32, #tpu.memory_space<vmem>>
      %dma_start3A_724 = tpu.memref_squeeze %dma_start3A_723 : memref<1x96xi32, #tpu.memory_space<vmem>> -> memref<96xi32, #tpu.memory_space<vmem>>
      %dma_start3A_725 = arith.constant 0 : i32
      %dma_start3A_726 = arith.constant 0 : i32
      %dma_start3A_727 = tpu.memref_slice %arg2[%dma_start3A_725, %dma_start3A_726] : memref<1000000x64xf32, #tpu.memory_space<hbm>> -> memref<1000000x64xf32, #tpu.memory_space<hbm>>
      tpu.enqueue_indirect_dma source(%dma_start3A_727 : memref<1000000x64xf32, #tpu.memory_space<hbm>>) target(%dma_start3A_721 : memref<96x64xf32, #tpu.memory_space<vmem>>) offsets(%dma_start3A_724 : memref<96xi32, #tpu.memory_space<vmem>>) semaphore(%arg7 : memref<!tpu.dma_semaphore, #tpu.memory_space<semaphore_mem>>)
      %mul3A_728 = arith.constant 2 : i32
      %mul3A_729 = arith.muli %mul3A_728, %add3A_712 : i32
      %add3A_730 = arith.constant 0 : i32
      %add3A_731 = arith.addi %mul3A_729, %add3A_730 : i32
      %dma_start3A_732 = arith.constant 1 : i32
      %dma_start3A_733 = arith.constant 0 : i32
      %dma_start3A_734 = arith.constant 0 : i32
      %dma_start3A_735 = tpu.memref_slice %arg6[%dma_start3A_732, %dma_start3A_733, %dma_start3A_734] : memref<8x104x64xf32, #tpu.memory_space<vmem>> -> memref<1x104x64xf32, #tpu.memory_space<vmem>>
      %dma_start3A_736 = tpu.memref_squeeze %dma_start3A_735 : memref<1x104x64xf32, #tpu.memory_space<vmem>> -> memref<104x64xf32, #tpu.memory_space<vmem>>
      %dma_start3A_737 = arith.constant 96 : i32
      %dma_start3A_738 = tpu.memref_slice %arg5[%add3A_731, %dma_start3A_737] : memref<128x200xi32, #tpu.memory_space<vmem>> -> memref<1x104xi32, #tpu.memory_space<vmem>>
      %dma_start3A_739 = tpu.memref_squeeze %dma_start3A_738 : memref<1x104xi32, #tpu.memory_space<vmem>> -> memref<104xi32, #tpu.memory_space<vmem>>
      %dma_start3A_740 = arith.constant 0 : i32
      %dma_start3A_741 = arith.constant 0 : i32
      %dma_start3A_742 = tpu.memref_slice %arg2[%dma_start3A_740, %dma_start3A_741] : memref<1000000x64xf32, #tpu.memory_space<hbm>> -> memref<1000000x64xf32, #tpu.memory_space<hbm>>
      tpu.enqueue_indirect_dma source(%dma_start3A_742 : memref<1000000x64xf32, #tpu.memory_space<hbm>>) target(%dma_start3A_736 : memref<104x64xf32, #tpu.memory_space<vmem>>) offsets(%dma_start3A_739 : memref<104xi32, #tpu.memory_space<vmem>>) semaphore(%arg7 : memref<!tpu.dma_semaphore, #tpu.memory_space<semaphore_mem>>)
      %mul3A_743 = arith.constant 2 : i32
      %mul3A_744 = arith.muli %mul3A_743, %add3A_712 : i32
      %add3A_745 = arith.constant 1 : i32
      %add3A_746 = arith.addi %mul3A_744, %add3A_745 : i32
      %dma_start3A_747 = arith.constant 2 : i32
      %dma_start3A_748 = arith.constant 0 : i32
      %dma_start3A_749 = arith.constant 0 : i32
      %dma_start3A_750 = tpu.memref_slice %arg6[%dma_start3A_747, %dma_start3A_748, %dma_start3A_749] : memref<8x104x64xf32, #tpu.memory_space<vmem>> -> memref<1x96x64xf32, #tpu.memory_space<vmem>>
      %dma_start3A_751 = tpu.memref_squeeze %dma_start3A_750 : memref<1x96x64xf32, #tpu.memory_space<vmem>> -> memref<96x64xf32, #tpu.memory_space<vmem>>
      %dma_start3A_752 = arith.constant 0 : i32
      %dma_start3A_753 = tpu.memref_slice %arg5[%add3A_746, %dma_start3A_752] : memref<128x200xi32, #tpu.memory_space<vmem>> -> memref<1x96xi32, #tpu.memory_space<vmem>>
      %dma_start3A_754 = tpu.memref_squeeze %dma_start3A_753 : memref<1x96xi32, #tpu.memory_space<vmem>> -> memref<96xi32, #tpu.memory_space<vmem>>
      %dma_start3A_755 = arith.constant 0 : i32
      %dma_start3A_756 = arith.constant 0 : i32
      %dma_start3A_757 = tpu.memref_slice %arg2[%dma_start3A_755, %dma_start3A_756] : memref<1000000x64xf32, #tpu.memory_space<hbm>> -> memref<1000000x64xf32, #tpu.memory_space<hbm>>
      tpu.enqueue_indirect_dma source(%dma_start3A_757 : memref<1000000x64xf32, #tpu.memory_space<hbm>>) target(%dma_start3A_751 : memref<96x64xf32, #tpu.memory_space<vmem>>) offsets(%dma_start3A_754 : memref<96xi32, #tpu.memory_space<vmem>>) semaphore(%arg7 : memref<!tpu.dma_semaphore, #tpu.memory_space<semaphore_mem>>)
      %mul3A_758 = arith.constant 2 : i32
      %mul3A_759 = arith.muli %mul3A_758, %add3A_712 : i32
      %add3A_760 = arith.constant 1 : i32
      %add3A_761 = arith.addi %mul3A_759, %add3A_760 : i32
      %dma_start3A_762 = arith.constant 3 : i32
      %dma_start3A_763 = arith.constant 0 : i32
      %dma_start3A_764 = arith.constant 0 : i32
      %dma_start3A_765 = tpu.memref_slice %arg6[%dma_start3A_762, %dma_start3A_763, %dma_start3A_764] : memref<8x104x64xf32, #tpu.memory_space<vmem>> -> memref<1x104x64xf32, #tpu.memory_space<vmem>>
      %dma_start3A_766 = tpu.memref_squeeze %dma_start3A_765 : memref<1x104x64xf32, #tpu.memory_space<vmem>> -> memref<104x64xf32, #tpu.memory_space<vmem>>
      %dma_start3A_767 = arith.constant 96 : i32
      %dma_start3A_768 = tpu.memref_slice %arg5[%add3A_761, %dma_start3A_767] : memref<128x200xi32, #tpu.memory_space<vmem>> -> memref<1x104xi32, #tpu.memory_space<vmem>>
      %dma_start3A_769 = tpu.memref_squeeze %dma_start3A_768 : memref<1x104xi32, #tpu.memory_space<vmem>> -> memref<104xi32, #tpu.memory_space<vmem>>
      %dma_start3A_770 = arith.constant 0 : i32
      %dma_start3A_771 = arith.constant 0 : i32
      %dma_start3A_772 = tpu.memref_slice %arg2[%dma_start3A_770, %dma_start3A_771] : memref<1000000x64xf32, #tpu.memory_space<hbm>> -> memref<1000000x64xf32, #tpu.memory_space<hbm>>
      tpu.enqueue_indirect_dma source(%dma_start3A_772 : memref<1000000x64xf32, #tpu.memory_space<hbm>>) target(%dma_start3A_766 : memref<104x64xf32, #tpu.memory_space<vmem>>) offsets(%dma_start3A_769 : memref<104xi32, #tpu.memory_space<vmem>>) semaphore(%arg7 : memref<!tpu.dma_semaphore, #tpu.memory_space<semaphore_mem>>)
      %dma_wait3A_773 = arith.constant 0 : i32
      %dma_wait3A_774 = arith.constant 0 : i32
      %dma_wait3A_775 = arith.constant 0 : i32
      %dma_wait3A_776 = arith.constant 0 : i32
      %dma_wait3A_777 = tpu.memref_slice %arg6[%dma_wait3A_774, %dma_wait3A_775, %dma_wait3A_776] : memref<8x104x64xf32, #tpu.memory_space<vmem>> -> memref<1x96x64xf32, #tpu.memory_space<vmem>>
      %dma_wait3A_778 = tpu.memref_squeeze %dma_wait3A_777 : memref<1x96x64xf32, #tpu.memory_space<vmem>> -> memref<96x64xf32, #tpu.memory_space<vmem>>
      %dma_wait3A_779 = arith.constant 0 : i32
      %dma_wait3A_780 = tpu.memref_slice %arg5[%dma_wait3A_773, %dma_wait3A_779] : memref<128x200xi32, #tpu.memory_space<vmem>> -> memref<1x96xi32, #tpu.memory_space<vmem>>
      %dma_wait3A_781 = tpu.memref_squeeze %dma_wait3A_780 : memref<1x96xi32, #tpu.memory_space<vmem>> -> memref<96xi32, #tpu.memory_space<vmem>>
      %dma_wait3A_782 = arith.constant 0 : i32
      %dma_wait3A_783 = arith.constant 0 : i32
      %dma_wait3A_784 = tpu.memref_slice %arg2[%dma_wait3A_782, %dma_wait3A_783] : memref<1000000x64xf32, #tpu.memory_space<hbm>> -> memref<1000000x64xf32, #tpu.memory_space<hbm>>
      tpu.wait_indirect_dma semaphore(%arg7 : memref<!tpu.dma_semaphore, #tpu.memory_space<semaphore_mem>>) src(%dma_wait3A_784 : memref<1000000x64xf32, #tpu.memory_space<hbm>>) dst(%dma_wait3A_778 : memref<96x64xf32, #tpu.memory_space<vmem>>)
      %dma_wait3A_785 = arith.constant 0 : i32
      %dma_wait3A_786 = arith.constant 1 : i32
      %dma_wait3A_787 = arith.constant 0 : i32
      %dma_wait3A_788 = arith.constant 0 : i32
      %dma_wait3A_789 = tpu.memref_slice %arg6[%dma_wait3A_786, %dma_wait3A_787, %dma_wait3A_788] : memref<8x104x64xf32, #tpu.memory_space<vmem>> -> memref<1x104x64xf32, #tpu.memory_space<vmem>>
      %dma_wait3A_790 = tpu.memref_squeeze %dma_wait3A_789 : memref<1x104x64xf32, #tpu.memory_space<vmem>> -> memref<104x64xf32, #tpu.memory_space<vmem>>
      %dma_wait3A_791 = arith.constant 0 : i32
      %dma_wait3A_792 = tpu.memref_slice %arg5[%dma_wait3A_785, %dma_wait3A_791] : memref<128x200xi32, #tpu.memory_space<vmem>> -> memref<1x104xi32, #tpu.memory_space<vmem>>
      %dma_wait3A_793 = tpu.memref_squeeze %dma_wait3A_792 : memref<1x104xi32, #tpu.memory_space<vmem>> -> memref<104xi32, #tpu.memory_space<vmem>>
      %dma_wait3A_794 = arith.constant 0 : i32
      %dma_wait3A_795 = arith.constant 0 : i32
      %dma_wait3A_796 = tpu.memref_slice %arg2[%dma_wait3A_794, %dma_wait3A_795] : memref<1000000x64xf32, #tpu.memory_space<hbm>> -> memref<1000000x64xf32, #tpu.memory_space<hbm>>
      tpu.wait_indirect_dma semaphore(%arg7 : memref<!tpu.dma_semaphore, #tpu.memory_space<semaphore_mem>>) src(%dma_wait3A_796 : memref<1000000x64xf32, #tpu.memory_space<hbm>>) dst(%dma_wait3A_790 : memref<104x64xf32, #tpu.memory_space<vmem>>)
      %dma_wait3A_797 = arith.constant 0 : i32
      %dma_wait3A_798 = arith.constant 2 : i32
      %dma_wait3A_799 = arith.constant 0 : i32
      %dma_wait3A_800 = arith.constant 0 : i32
      %dma_wait3A_801 = tpu.memref_slice %arg6[%dma_wait3A_798, %dma_wait3A_799, %dma_wait3A_800] : memref<8x104x64xf32, #tpu.memory_space<vmem>> -> memref<1x96x64xf32, #tpu.memory_space<vmem>>
      %dma_wait3A_802 = tpu.memref_squeeze %dma_wait3A_801 : memref<1x96x64xf32, #tpu.memory_space<vmem>> -> memref<96x64xf32, #tpu.memory_space<vmem>>
      %dma_wait3A_803 = arith.constant 0 : i32
      %dma_wait3A_804 = tpu.memref_slice %arg5[%dma_wait3A_797, %dma_wait3A_803] : memref<128x200xi32, #tpu.memory_space<vmem>> -> memref<1x96xi32, #tpu.memory_space<vmem>>
      %dma_wait3A_805 = tpu.memref_squeeze %dma_wait3A_804 : memref<1x96xi32, #tpu.memory_space<vmem>> -> memref<96xi32, #tpu.memory_space<vmem>>
      %dma_wait3A_806 = arith.constant 0 : i32
      %dma_wait3A_807 = arith.constant 0 : i32
      %dma_wait3A_808 = tpu.memref_slice %arg2[%dma_wait3A_806, %dma_wait3A_807] : memref<1000000x64xf32, #tpu.memory_space<hbm>> -> memref<1000000x64xf32, #tpu.memory_space<hbm>>
      tpu.wait_indirect_dma semaphore(%arg7 : memref<!tpu.dma_semaphore, #tpu.memory_space<semaphore_mem>>) src(%dma_wait3A_808 : memref<1000000x64xf32, #tpu.memory_space<hbm>>) dst(%dma_wait3A_802 : memref<96x64xf32, #tpu.memory_space<vmem>>)
      %dma_wait3A_809 = arith.constant 0 : i32
      %dma_wait3A_810 = arith.constant 3 : i32
      %dma_wait3A_811 = arith.constant 0 : i32
      %dma_wait3A_812 = arith.constant 0 : i32
      %dma_wait3A_813 = tpu.memref_slice %arg6[%dma_wait3A_810, %dma_wait3A_811, %dma_wait3A_812] : memref<8x104x64xf32, #tpu.memory_space<vmem>> -> memref<1x104x64xf32, #tpu.memory_space<vmem>>
      %dma_wait3A_814 = tpu.memref_squeeze %dma_wait3A_813 : memref<1x104x64xf32, #tpu.memory_space<vmem>> -> memref<104x64xf32, #tpu.memory_space<vmem>>
      %dma_wait3A_815 = arith.constant 0 : i32
      %dma_wait3A_816 = tpu.memref_slice %arg5[%dma_wait3A_809, %dma_wait3A_815] : memref<128x200xi32, #tpu.memory_space<vmem>> -> memref<1x104xi32, #tpu.memory_space<vmem>>
      %dma_wait3A_817 = tpu.memref_squeeze %dma_wait3A_816 : memref<1x104xi32, #tpu.memory_space<vmem>> -> memref<104xi32, #tpu.memory_space<vmem>>
      %dma_wait3A_818 = arith.constant 0 : i32
      %dma_wait3A_819 = arith.constant 0 : i32
      %dma_wait3A_820 = tpu.memref_slice %arg2[%dma_wait3A_818, %dma_wait3A_819] : memref<1000000x64xf32, #tpu.memory_space<hbm>> -> memref<1000000x64xf32, #tpu.memory_space<hbm>>
      tpu.wait_indirect_dma semaphore(%arg7 : memref<!tpu.dma_semaphore, #tpu.memory_space<semaphore_mem>>) src(%dma_wait3A_820 : memref<1000000x64xf32, #tpu.memory_space<hbm>>) dst(%dma_wait3A_814 : memref<104x64xf32, #tpu.memory_space<vmem>>)
      %add3A_821 = arith.constant 1 : i32
      %add3A_822 = arith.addi %add3A_506, %add3A_821 : i32
      %mul3A_823 = arith.constant 2 : i32
      %mul3A_824 = arith.muli %mul3A_823, %add3A_822 : i32
      %add3A_825 = arith.addi %mul3A_2, %mul3A_824 : i32
      %add3A_826 = arith.constant 0 : i32
      %add3A_827 = arith.addi %add3A_825, %add3A_826 : i32
      %dma_start3A_828 = arith.constant 0 : i32
      %dma_start3A_829 = arith.constant 0 : i32
      %dma_start3A_830 = arith.constant 0 : i32
      %dma_start3A_831 = tpu.memref_slice %arg6[%dma_start3A_828, %dma_start3A_829, %dma_start3A_830] : memref<8x104x64xf32, #tpu.memory_space<vmem>> -> memref<1x96x64xf32, #tpu.memory_space<vmem>>
      %dma_start3A_832 = tpu.memref_squeeze %dma_start3A_831 : memref<1x96x64xf32, #tpu.memory_space<vmem>> -> memref<96x64xf32, #tpu.memory_space<vmem>>
      %dma_start3A_833 = arith.constant 0 : i32
      %dma_start3A_834 = arith.constant 0 : i32
      %dma_start3A_835 = tpu.memref_slice %arg4[%add3A_827, %dma_start3A_833, %dma_start3A_834] : memref<4096x200x64xf32, #tpu.memory_space<hbm>> -> memref<1x96x64xf32, #tpu.memory_space<hbm>>
      %dma_start3A_836 = tpu.memref_squeeze %dma_start3A_835 : memref<1x96x64xf32, #tpu.memory_space<hbm>> -> memref<96x64xf32, #tpu.memory_space<hbm>>
      %dma_start3A_837 = arith.constant 0 : i32
      %dma_start3A_838 = arith.constant 0 : i32
      %dma_start3A_839 = tpu.memref_slice %arg4[%add3A_827, %dma_start3A_837, %dma_start3A_838] : memref<4096x200x64xf32, #tpu.memory_space<hbm>> -> memref<1x96x64xf32, #tpu.memory_space<hbm>>
      %dma_start3A_840 = tpu.memref_squeeze %dma_start3A_839 : memref<1x96x64xf32, #tpu.memory_space<hbm>> -> memref<96x64xf32, #tpu.memory_space<hbm>>
      %dma_start3A_841 = arith.constant 0 : i32
      %dma_start3A_842 = arith.constant 0 : i32
      %dma_start3A_843 = tpu.memref_slice %arg6[%dma_start3A_828, %dma_start3A_841, %dma_start3A_842] : memref<8x104x64xf32, #tpu.memory_space<vmem>> -> memref<1x96x64xf32, #tpu.memory_space<vmem>>
      %dma_start3A_844 = tpu.memref_squeeze %dma_start3A_843 : memref<1x96x64xf32, #tpu.memory_space<vmem>> -> memref<96x64xf32, #tpu.memory_space<vmem>>
      tpu.enqueue_dma source(%dma_start3A_844 : memref<96x64xf32, #tpu.memory_space<vmem>>) target(%dma_start3A_840 : memref<96x64xf32, #tpu.memory_space<hbm>>) target_semaphore(%arg9 : memref<!tpu.dma_semaphore, #tpu.memory_space<semaphore_mem>>)
      %mul3A_845 = arith.constant 2 : i32
      %mul3A_846 = arith.muli %mul3A_845, %add3A_822 : i32
      %add3A_847 = arith.addi %mul3A_2, %mul3A_846 : i32
      %add3A_848 = arith.constant 0 : i32
      %add3A_849 = arith.addi %add3A_847, %add3A_848 : i32
      %dma_start3A_850 = arith.constant 1 : i32
      %dma_start3A_851 = arith.constant 0 : i32
      %dma_start3A_852 = arith.constant 0 : i32
      %dma_start3A_853 = tpu.memref_slice %arg6[%dma_start3A_850, %dma_start3A_851, %dma_start3A_852] : memref<8x104x64xf32, #tpu.memory_space<vmem>> -> memref<1x104x64xf32, #tpu.memory_space<vmem>>
      %dma_start3A_854 = tpu.memref_squeeze %dma_start3A_853 : memref<1x104x64xf32, #tpu.memory_space<vmem>> -> memref<104x64xf32, #tpu.memory_space<vmem>>
      %dma_start3A_855 = arith.constant 96 : i32
      %dma_start3A_856 = arith.constant 0 : i32
      %dma_start3A_857 = tpu.memref_slice %arg4[%add3A_849, %dma_start3A_855, %dma_start3A_856] : memref<4096x200x64xf32, #tpu.memory_space<hbm>> -> memref<1x104x64xf32, #tpu.memory_space<hbm>>
      %dma_start3A_858 = tpu.memref_squeeze %dma_start3A_857 : memref<1x104x64xf32, #tpu.memory_space<hbm>> -> memref<104x64xf32, #tpu.memory_space<hbm>>
      %dma_start3A_859 = arith.constant 96 : i32
      %dma_start3A_860 = arith.constant 0 : i32
      %dma_start3A_861 = tpu.memref_slice %arg4[%add3A_849, %dma_start3A_859, %dma_start3A_860] : memref<4096x200x64xf32, #tpu.memory_space<hbm>> -> memref<1x104x64xf32, #tpu.memory_space<hbm>>
      %dma_start3A_862 = tpu.memref_squeeze %dma_start3A_861 : memref<1x104x64xf32, #tpu.memory_space<hbm>> -> memref<104x64xf32, #tpu.memory_space<hbm>>
      %dma_start3A_863 = arith.constant 0 : i32
      %dma_start3A_864 = arith.constant 0 : i32
      %dma_start3A_865 = tpu.memref_slice %arg6[%dma_start3A_850, %dma_start3A_863, %dma_start3A_864] : memref<8x104x64xf32, #tpu.memory_space<vmem>> -> memref<1x104x64xf32, #tpu.memory_space<vmem>>
      %dma_start3A_866 = tpu.memref_squeeze %dma_start3A_865 : memref<1x104x64xf32, #tpu.memory_space<vmem>> -> memref<104x64xf32, #tpu.memory_space<vmem>>
      tpu.enqueue_dma source(%dma_start3A_866 : memref<104x64xf32, #tpu.memory_space<vmem>>) target(%dma_start3A_862 : memref<104x64xf32, #tpu.memory_space<hbm>>) target_semaphore(%arg9 : memref<!tpu.dma_semaphore, #tpu.memory_space<semaphore_mem>>)
      %mul3A_867 = arith.constant 2 : i32
      %mul3A_868 = arith.muli %mul3A_867, %add3A_822 : i32
      %add3A_869 = arith.addi %mul3A_2, %mul3A_868 : i32
      %add3A_870 = arith.constant 1 : i32
      %add3A_871 = arith.addi %add3A_869, %add3A_870 : i32
      %dma_start3A_872 = arith.constant 2 : i32
      %dma_start3A_873 = arith.constant 0 : i32
      %dma_start3A_874 = arith.constant 0 : i32
      %dma_start3A_875 = tpu.memref_slice %arg6[%dma_start3A_872, %dma_start3A_873, %dma_start3A_874] : memref<8x104x64xf32, #tpu.memory_space<vmem>> -> memref<1x96x64xf32, #tpu.memory_space<vmem>>
      %dma_start3A_876 = tpu.memref_squeeze %dma_start3A_875 : memref<1x96x64xf32, #tpu.memory_space<vmem>> -> memref<96x64xf32, #tpu.memory_space<vmem>>
      %dma_start3A_877 = arith.constant 0 : i32
      %dma_start3A_878 = arith.constant 0 : i32
      %dma_start3A_879 = tpu.memref_slice %arg4[%add3A_871, %dma_start3A_877, %dma_start3A_878] : memref<4096x200x64xf32, #tpu.memory_space<hbm>> -> memref<1x96x64xf32, #tpu.memory_space<hbm>>
      %dma_start3A_880 = tpu.memref_squeeze %dma_start3A_879 : memref<1x96x64xf32, #tpu.memory_space<hbm>> -> memref<96x64xf32, #tpu.memory_space<hbm>>
      %dma_start3A_881 = arith.constant 0 : i32
      %dma_start3A_882 = arith.constant 0 : i32
      %dma_start3A_883 = tpu.memref_slice %arg4[%add3A_871, %dma_start3A_881, %dma_start3A_882] : memref<4096x200x64xf32, #tpu.memory_space<hbm>> -> memref<1x96x64xf32, #tpu.memory_space<hbm>>
      %dma_start3A_884 = tpu.memref_squeeze %dma_start3A_883 : memref<1x96x64xf32, #tpu.memory_space<hbm>> -> memref<96x64xf32, #tpu.memory_space<hbm>>
      %dma_start3A_885 = arith.constant 0 : i32
      %dma_start3A_886 = arith.constant 0 : i32
      %dma_start3A_887 = tpu.memref_slice %arg6[%dma_start3A_872, %dma_start3A_885, %dma_start3A_886] : memref<8x104x64xf32, #tpu.memory_space<vmem>> -> memref<1x96x64xf32, #tpu.memory_space<vmem>>
      %dma_start3A_888 = tpu.memref_squeeze %dma_start3A_887 : memref<1x96x64xf32, #tpu.memory_space<vmem>> -> memref<96x64xf32, #tpu.memory_space<vmem>>
      tpu.enqueue_dma source(%dma_start3A_888 : memref<96x64xf32, #tpu.memory_space<vmem>>) target(%dma_start3A_884 : memref<96x64xf32, #tpu.memory_space<hbm>>) target_semaphore(%arg9 : memref<!tpu.dma_semaphore, #tpu.memory_space<semaphore_mem>>)
      %mul3A_889 = arith.constant 2 : i32
      %mul3A_890 = arith.muli %mul3A_889, %add3A_822 : i32
      %add3A_891 = arith.addi %mul3A_2, %mul3A_890 : i32
      %add3A_892 = arith.constant 1 : i32
      %add3A_893 = arith.addi %add3A_891, %add3A_892 : i32
      %dma_start3A_894 = arith.constant 3 : i32
      %dma_start3A_895 = arith.constant 0 : i32
      %dma_start3A_896 = arith.constant 0 : i32
      %dma_start3A_897 = tpu.memref_slice %arg6[%dma_start3A_894, %dma_start3A_895, %dma_start3A_896] : memref<8x104x64xf32, #tpu.memory_space<vmem>> -> memref<1x104x64xf32, #tpu.memory_space<vmem>>
      %dma_start3A_898 = tpu.memref_squeeze %dma_start3A_897 : memref<1x104x64xf32, #tpu.memory_space<vmem>> -> memref<104x64xf32, #tpu.memory_space<vmem>>
      %dma_start3A_899 = arith.constant 96 : i32
      %dma_start3A_900 = arith.constant 0 : i32
      %dma_start3A_901 = tpu.memref_slice %arg4[%add3A_893, %dma_start3A_899, %dma_start3A_900] : memref<4096x200x64xf32, #tpu.memory_space<hbm>> -> memref<1x104x64xf32, #tpu.memory_space<hbm>>
      %dma_start3A_902 = tpu.memref_squeeze %dma_start3A_901 : memref<1x104x64xf32, #tpu.memory_space<hbm>> -> memref<104x64xf32, #tpu.memory_space<hbm>>
      %dma_start3A_903 = arith.constant 96 : i32
      %dma_start3A_904 = arith.constant 0 : i32
      %dma_start3A_905 = tpu.memref_slice %arg4[%add3A_893, %dma_start3A_903, %dma_start3A_904] : memref<4096x200x64xf32, #tpu.memory_space<hbm>> -> memref<1x104x64xf32, #tpu.memory_space<hbm>>
      %dma_start3A_906 = tpu.memref_squeeze %dma_start3A_905 : memref<1x104x64xf32, #tpu.memory_space<hbm>> -> memref<104x64xf32, #tpu.memory_space<hbm>>
      %dma_start3A_907 = arith.constant 0 : i32
      %dma_start3A_908 = arith.constant 0 : i32
      %dma_start3A_909 = tpu.memref_slice %arg6[%dma_start3A_894, %dma_start3A_907, %dma_start3A_908] : memref<8x104x64xf32, #tpu.memory_space<vmem>> -> memref<1x104x64xf32, #tpu.memory_space<vmem>>
      %dma_start3A_910 = tpu.memref_squeeze %dma_start3A_909 : memref<1x104x64xf32, #tpu.memory_space<vmem>> -> memref<104x64xf32, #tpu.memory_space<vmem>>
      tpu.enqueue_dma source(%dma_start3A_910 : memref<104x64xf32, #tpu.memory_space<vmem>>) target(%dma_start3A_906 : memref<104x64xf32, #tpu.memory_space<hbm>>) target_semaphore(%arg9 : memref<!tpu.dma_semaphore, #tpu.memory_space<semaphore_mem>>)
      %dma_wait3A_911 = arith.constant 4 : i32
      %dma_wait3A_912 = arith.constant 0 : i32
      %dma_wait3A_913 = arith.constant 0 : i32
      %dma_wait3A_914 = tpu.memref_slice %arg6[%dma_wait3A_911, %dma_wait3A_912, %dma_wait3A_913] : memref<8x104x64xf32, #tpu.memory_space<vmem>> -> memref<1x96x64xf32, #tpu.memory_space<vmem>>
      %dma_wait3A_915 = tpu.memref_squeeze %dma_wait3A_914 : memref<1x96x64xf32, #tpu.memory_space<vmem>> -> memref<96x64xf32, #tpu.memory_space<vmem>>
      %dma_wait3A_916 = arith.constant 0 : i32
      %dma_wait3A_917 = arith.constant 0 : i32
      %dma_wait3A_918 = tpu.memref_slice %arg4[%mul3A_2, %dma_wait3A_916, %dma_wait3A_917] : memref<4096x200x64xf32, #tpu.memory_space<hbm>> -> memref<1x96x64xf32, #tpu.memory_space<hbm>>
      %dma_wait3A_919 = tpu.memref_squeeze %dma_wait3A_918 : memref<1x96x64xf32, #tpu.memory_space<hbm>> -> memref<96x64xf32, #tpu.memory_space<hbm>>
      %dma_wait3A_920 = arith.constant 0 : i32
      %dma_wait3A_921 = arith.constant 0 : i32
      %dma_wait3A_922 = tpu.memref_slice %arg4[%mul3A_2, %dma_wait3A_920, %dma_wait3A_921] : memref<4096x200x64xf32, #tpu.memory_space<hbm>> -> memref<1x96x64xf32, #tpu.memory_space<hbm>>
      %dma_wait3A_923 = tpu.memref_squeeze %dma_wait3A_922 : memref<1x96x64xf32, #tpu.memory_space<hbm>> -> memref<96x64xf32, #tpu.memory_space<hbm>>
      %dma_wait3A_924 = arith.constant 0 : i32
      %dma_wait3A_925 = arith.constant 0 : i32
      %dma_wait3A_926 = tpu.memref_slice %arg6[%dma_wait3A_911, %dma_wait3A_924, %dma_wait3A_925] : memref<8x104x64xf32, #tpu.memory_space<vmem>> -> memref<1x96x64xf32, #tpu.memory_space<vmem>>
      %dma_wait3A_927 = tpu.memref_squeeze %dma_wait3A_926 : memref<1x96x64xf32, #tpu.memory_space<vmem>> -> memref<96x64xf32, #tpu.memory_space<vmem>>
      tpu.wait_dma2 semaphore(%arg10 : memref<!tpu.dma_semaphore, #tpu.memory_space<semaphore_mem>>) src(%dma_wait3A_927 : memref<96x64xf32, #tpu.memory_space<vmem>>) dst(%dma_wait3A_923 : memref<96x64xf32, #tpu.memory_space<hbm>>)
      %dma_wait3A_928 = arith.constant 5 : i32
      %dma_wait3A_929 = arith.constant 0 : i32
      %dma_wait3A_930 = arith.constant 0 : i32
      %dma_wait3A_931 = tpu.memref_slice %arg6[%dma_wait3A_928, %dma_wait3A_929, %dma_wait3A_930] : memref<8x104x64xf32, #tpu.memory_space<vmem>> -> memref<1x104x64xf32, #tpu.memory_space<vmem>>
      %dma_wait3A_932 = tpu.memref_squeeze %dma_wait3A_931 : memref<1x104x64xf32, #tpu.memory_space<vmem>> -> memref<104x64xf32, #tpu.memory_space<vmem>>
      %dma_wait3A_933 = arith.constant 96 : i32
      %dma_wait3A_934 = arith.constant 0 : i32
      %dma_wait3A_935 = tpu.memref_slice %arg4[%mul3A_2, %dma_wait3A_933, %dma_wait3A_934] : memref<4096x200x64xf32, #tpu.memory_space<hbm>> -> memref<1x104x64xf32, #tpu.memory_space<hbm>>
      %dma_wait3A_936 = tpu.memref_squeeze %dma_wait3A_935 : memref<1x104x64xf32, #tpu.memory_space<hbm>> -> memref<104x64xf32, #tpu.memory_space<hbm>>
      %dma_wait3A_937 = arith.constant 96 : i32
      %dma_wait3A_938 = arith.constant 0 : i32
      %dma_wait3A_939 = tpu.memref_slice %arg4[%mul3A_2, %dma_wait3A_937, %dma_wait3A_938] : memref<4096x200x64xf32, #tpu.memory_space<hbm>> -> memref<1x104x64xf32, #tpu.memory_space<hbm>>
      %dma_wait3A_940 = tpu.memref_squeeze %dma_wait3A_939 : memref<1x104x64xf32, #tpu.memory_space<hbm>> -> memref<104x64xf32, #tpu.memory_space<hbm>>
      %dma_wait3A_941 = arith.constant 0 : i32
      %dma_wait3A_942 = arith.constant 0 : i32
      %dma_wait3A_943 = tpu.memref_slice %arg6[%dma_wait3A_928, %dma_wait3A_941, %dma_wait3A_942] : memref<8x104x64xf32, #tpu.memory_space<vmem>> -> memref<1x104x64xf32, #tpu.memory_space<vmem>>
      %dma_wait3A_944 = tpu.memref_squeeze %dma_wait3A_943 : memref<1x104x64xf32, #tpu.memory_space<vmem>> -> memref<104x64xf32, #tpu.memory_space<vmem>>
      tpu.wait_dma2 semaphore(%arg10 : memref<!tpu.dma_semaphore, #tpu.memory_space<semaphore_mem>>) src(%dma_wait3A_944 : memref<104x64xf32, #tpu.memory_space<vmem>>) dst(%dma_wait3A_940 : memref<104x64xf32, #tpu.memory_space<hbm>>)
      %dma_wait3A_945 = arith.constant 6 : i32
      %dma_wait3A_946 = arith.constant 0 : i32
      %dma_wait3A_947 = arith.constant 0 : i32
      %dma_wait3A_948 = tpu.memref_slice %arg6[%dma_wait3A_945, %dma_wait3A_946, %dma_wait3A_947] : memref<8x104x64xf32, #tpu.memory_space<vmem>> -> memref<1x96x64xf32, #tpu.memory_space<vmem>>
      %dma_wait3A_949 = tpu.memref_squeeze %dma_wait3A_948 : memref<1x96x64xf32, #tpu.memory_space<vmem>> -> memref<96x64xf32, #tpu.memory_space<vmem>>
      %dma_wait3A_950 = arith.constant 0 : i32
      %dma_wait3A_951 = arith.constant 0 : i32
      %dma_wait3A_952 = tpu.memref_slice %arg4[%mul3A_2, %dma_wait3A_950, %dma_wait3A_951] : memref<4096x200x64xf32, #tpu.memory_space<hbm>> -> memref<1x96x64xf32, #tpu.memory_space<hbm>>
      %dma_wait3A_953 = tpu.memref_squeeze %dma_wait3A_952 : memref<1x96x64xf32, #tpu.memory_space<hbm>> -> memref<96x64xf32, #tpu.memory_space<hbm>>
      %dma_wait3A_954 = arith.constant 0 : i32
      %dma_wait3A_955 = arith.constant 0 : i32
      %dma_wait3A_956 = tpu.memref_slice %arg4[%mul3A_2, %dma_wait3A_954, %dma_wait3A_955] : memref<4096x200x64xf32, #tpu.memory_space<hbm>> -> memref<1x96x64xf32, #tpu.memory_space<hbm>>
      %dma_wait3A_957 = tpu.memref_squeeze %dma_wait3A_956 : memref<1x96x64xf32, #tpu.memory_space<hbm>> -> memref<96x64xf32, #tpu.memory_space<hbm>>
      %dma_wait3A_958 = arith.constant 0 : i32
      %dma_wait3A_959 = arith.constant 0 : i32
      %dma_wait3A_960 = tpu.memref_slice %arg6[%dma_wait3A_945, %dma_wait3A_958, %dma_wait3A_959] : memref<8x104x64xf32, #tpu.memory_space<vmem>> -> memref<1x96x64xf32, #tpu.memory_space<vmem>>
      %dma_wait3A_961 = tpu.memref_squeeze %dma_wait3A_960 : memref<1x96x64xf32, #tpu.memory_space<vmem>> -> memref<96x64xf32, #tpu.memory_space<vmem>>
      tpu.wait_dma2 semaphore(%arg10 : memref<!tpu.dma_semaphore, #tpu.memory_space<semaphore_mem>>) src(%dma_wait3A_961 : memref<96x64xf32, #tpu.memory_space<vmem>>) dst(%dma_wait3A_957 : memref<96x64xf32, #tpu.memory_space<hbm>>)
      %dma_wait3A_962 = arith.constant 7 : i32
      %dma_wait3A_963 = arith.constant 0 : i32
      %dma_wait3A_964 = arith.constant 0 : i32
      %dma_wait3A_965 = tpu.memref_slice %arg6[%dma_wait3A_962, %dma_wait3A_963, %dma_wait3A_964] : memref<8x104x64xf32, #tpu.memory_space<vmem>> -> memref<1x104x64xf32, #tpu.memory_space<vmem>>
      %dma_wait3A_966 = tpu.memref_squeeze %dma_wait3A_965 : memref<1x104x64xf32, #tpu.memory_space<vmem>> -> memref<104x64xf32, #tpu.memory_space<vmem>>
      %dma_wait3A_967 = arith.constant 96 : i32
      %dma_wait3A_968 = arith.constant 0 : i32
      %dma_wait3A_969 = tpu.memref_slice %arg4[%mul3A_2, %dma_wait3A_967, %dma_wait3A_968] : memref<4096x200x64xf32, #tpu.memory_space<hbm>> -> memref<1x104x64xf32, #tpu.memory_space<hbm>>
      %dma_wait3A_970 = tpu.memref_squeeze %dma_wait3A_969 : memref<1x104x64xf32, #tpu.memory_space<hbm>> -> memref<104x64xf32, #tpu.memory_space<hbm>>
      %dma_wait3A_971 = arith.constant 96 : i32
      %dma_wait3A_972 = arith.constant 0 : i32
      %dma_wait3A_973 = tpu.memref_slice %arg4[%mul3A_2, %dma_wait3A_971, %dma_wait3A_972] : memref<4096x200x64xf32, #tpu.memory_space<hbm>> -> memref<1x104x64xf32, #tpu.memory_space<hbm>>
      %dma_wait3A_974 = tpu.memref_squeeze %dma_wait3A_973 : memref<1x104x64xf32, #tpu.memory_space<hbm>> -> memref<104x64xf32, #tpu.memory_space<hbm>>
      %dma_wait3A_975 = arith.constant 0 : i32
      %dma_wait3A_976 = arith.constant 0 : i32
      %dma_wait3A_977 = tpu.memref_slice %arg6[%dma_wait3A_962, %dma_wait3A_975, %dma_wait3A_976] : memref<8x104x64xf32, #tpu.memory_space<vmem>> -> memref<1x104x64xf32, #tpu.memory_space<vmem>>
      %dma_wait3A_978 = tpu.memref_squeeze %dma_wait3A_977 : memref<1x104x64xf32, #tpu.memory_space<vmem>> -> memref<104x64xf32, #tpu.memory_space<vmem>>
      tpu.wait_dma2 semaphore(%arg10 : memref<!tpu.dma_semaphore, #tpu.memory_space<semaphore_mem>>) src(%dma_wait3A_978 : memref<104x64xf32, #tpu.memory_space<vmem>>) dst(%dma_wait3A_974 : memref<104x64xf32, #tpu.memory_space<hbm>>)
      %add3A_979 = arith.constant 2 : i32
      %add3A_980 = arith.addi %add3A_506, %add3A_979 : i32
      %mul3A_981 = arith.constant 2 : i32
      %mul3A_982 = arith.muli %mul3A_981, %add3A_980 : i32
      %add3A_983 = arith.constant 0 : i32
      %add3A_984 = arith.addi %mul3A_982, %add3A_983 : i32
      %dma_start3A_985 = arith.constant 4 : i32
      %dma_start3A_986 = arith.constant 0 : i32
      %dma_start3A_987 = arith.constant 0 : i32
      %dma_start3A_988 = tpu.memref_slice %arg6[%dma_start3A_985, %dma_start3A_986, %dma_start3A_987] : memref<8x104x64xf32, #tpu.memory_space<vmem>> -> memref<1x96x64xf32, #tpu.memory_space<vmem>>
      %dma_start3A_989 = tpu.memref_squeeze %dma_start3A_988 : memref<1x96x64xf32, #tpu.memory_space<vmem>> -> memref<96x64xf32, #tpu.memory_space<vmem>>
      %dma_start3A_990 = arith.constant 0 : i32
      %dma_start3A_991 = tpu.memref_slice %arg5[%add3A_984, %dma_start3A_990] : memref<128x200xi32, #tpu.memory_space<vmem>> -> memref<1x96xi32, #tpu.memory_space<vmem>>
      %dma_start3A_992 = tpu.memref_squeeze %dma_start3A_991 : memref<1x96xi32, #tpu.memory_space<vmem>> -> memref<96xi32, #tpu.memory_space<vmem>>
      %dma_start3A_993 = arith.constant 0 : i32
      %dma_start3A_994 = arith.constant 0 : i32
      %dma_start3A_995 = tpu.memref_slice %arg2[%dma_start3A_993, %dma_start3A_994] : memref<1000000x64xf32, #tpu.memory_space<hbm>> -> memref<1000000x64xf32, #tpu.memory_space<hbm>>
      tpu.enqueue_indirect_dma source(%dma_start3A_995 : memref<1000000x64xf32, #tpu.memory_space<hbm>>) target(%dma_start3A_989 : memref<96x64xf32, #tpu.memory_space<vmem>>) offsets(%dma_start3A_992 : memref<96xi32, #tpu.memory_space<vmem>>) semaphore(%arg8 : memref<!tpu.dma_semaphore, #tpu.memory_space<semaphore_mem>>)
      %mul3A_996 = arith.constant 2 : i32
      %mul3A_997 = arith.muli %mul3A_996, %add3A_980 : i32
      %add3A_998 = arith.constant 0 : i32
      %add3A_999 = arith.addi %mul3A_997, %add3A_998 : i32
      %dma_start3A_1000 = arith.constant 5 : i32
      %dma_start3A_1001 = arith.constant 0 : i32
      %dma_start3A_1002 = arith.constant 0 : i32
      %dma_start3A_1003 = tpu.memref_slice %arg6[%dma_start3A_1000, %dma_start3A_1001, %dma_start3A_1002] : memref<8x104x64xf32, #tpu.memory_space<vmem>> -> memref<1x104x64xf32, #tpu.memory_space<vmem>>
      %dma_start3A_1004 = tpu.memref_squeeze %dma_start3A_1003 : memref<1x104x64xf32, #tpu.memory_space<vmem>> -> memref<104x64xf32, #tpu.memory_space<vmem>>
      %dma_start3A_1005 = arith.constant 96 : i32
      %dma_start3A_1006 = tpu.memref_slice %arg5[%add3A_999, %dma_start3A_1005] : memref<128x200xi32, #tpu.memory_space<vmem>> -> memref<1x104xi32, #tpu.memory_space<vmem>>
      %dma_start3A_1007 = tpu.memref_squeeze %dma_start3A_1006 : memref<1x104xi32, #tpu.memory_space<vmem>> -> memref<104xi32, #tpu.memory_space<vmem>>
      %dma_start3A_1008 = arith.constant 0 : i32
      %dma_start3A_1009 = arith.constant 0 : i32
      %dma_start3A_1010 = tpu.memref_slice %arg2[%dma_start3A_1008, %dma_start3A_1009] : memref<1000000x64xf32, #tpu.memory_space<hbm>> -> memref<1000000x64xf32, #tpu.memory_space<hbm>>
      tpu.enqueue_indirect_dma source(%dma_start3A_1010 : memref<1000000x64xf32, #tpu.memory_space<hbm>>) target(%dma_start3A_1004 : memref<104x64xf32, #tpu.memory_space<vmem>>) offsets(%dma_start3A_1007 : memref<104xi32, #tpu.memory_space<vmem>>) semaphore(%arg8 : memref<!tpu.dma_semaphore, #tpu.memory_space<semaphore_mem>>)
      %mul3A_1011 = arith.constant 2 : i32
      %mul3A_1012 = arith.muli %mul3A_1011, %add3A_980 : i32
      %add3A_1013 = arith.constant 1 : i32
      %add3A_1014 = arith.addi %mul3A_1012, %add3A_1013 : i32
      %dma_start3A_1015 = arith.constant 6 : i32
      %dma_start3A_1016 = arith.constant 0 : i32
      %dma_start3A_1017 = arith.constant 0 : i32
      %dma_start3A_1018 = tpu.memref_slice %arg6[%dma_start3A_1015, %dma_start3A_1016, %dma_start3A_1017] : memref<8x104x64xf32, #tpu.memory_space<vmem>> -> memref<1x96x64xf32, #tpu.memory_space<vmem>>
      %dma_start3A_1019 = tpu.memref_squeeze %dma_start3A_1018 : memref<1x96x64xf32, #tpu.memory_space<vmem>> -> memref<96x64xf32, #tpu.memory_space<vmem>>
      %dma_start3A_1020 = arith.constant 0 : i32
      %dma_start3A_1021 = tpu.memref_slice %arg5[%add3A_1014, %dma_start3A_1020] : memref<128x200xi32, #tpu.memory_space<vmem>> -> memref<1x96xi32, #tpu.memory_space<vmem>>
      %dma_start3A_1022 = tpu.memref_squeeze %dma_start3A_1021 : memref<1x96xi32, #tpu.memory_space<vmem>> -> memref<96xi32, #tpu.memory_space<vmem>>
      %dma_start3A_1023 = arith.constant 0 : i32
      %dma_start3A_1024 = arith.constant 0 : i32
      %dma_start3A_1025 = tpu.memref_slice %arg2[%dma_start3A_1023, %dma_start3A_1024] : memref<1000000x64xf32, #tpu.memory_space<hbm>> -> memref<1000000x64xf32, #tpu.memory_space<hbm>>
      tpu.enqueue_indirect_dma source(%dma_start3A_1025 : memref<1000000x64xf32, #tpu.memory_space<hbm>>) target(%dma_start3A_1019 : memref<96x64xf32, #tpu.memory_space<vmem>>) offsets(%dma_start3A_1022 : memref<96xi32, #tpu.memory_space<vmem>>) semaphore(%arg8 : memref<!tpu.dma_semaphore, #tpu.memory_space<semaphore_mem>>)
      %mul3A_1026 = arith.constant 2 : i32
      %mul3A_1027 = arith.muli %mul3A_1026, %add3A_980 : i32
      %add3A_1028 = arith.constant 1 : i32
      %add3A_1029 = arith.addi %mul3A_1027, %add3A_1028 : i32
      %dma_start3A_1030 = arith.constant 7 : i32
      %dma_start3A_1031 = arith.constant 0 : i32
      %dma_start3A_1032 = arith.constant 0 : i32
      %dma_start3A_1033 = tpu.memref_slice %arg6[%dma_start3A_1030, %dma_start3A_1031, %dma_start3A_1032] : memref<8x104x64xf32, #tpu.memory_space<vmem>> -> memref<1x104x64xf32, #tpu.memory_space<vmem>>
      %dma_start3A_1034 = tpu.memref_squeeze %dma_start3A_1033 : memref<1x104x64xf32, #tpu.memory_space<vmem>> -> memref<104x64xf32, #tpu.memory_space<vmem>>
      %dma_start3A_1035 = arith.constant 96 : i32
      %dma_start3A_1036 = tpu.memref_slice %arg5[%add3A_1029, %dma_start3A_1035] : memref<128x200xi32, #tpu.memory_space<vmem>> -> memref<1x104xi32, #tpu.memory_space<vmem>>
      %dma_start3A_1037 = tpu.memref_squeeze %dma_start3A_1036 : memref<1x104xi32, #tpu.memory_space<vmem>> -> memref<104xi32, #tpu.memory_space<vmem>>
      %dma_start3A_1038 = arith.constant 0 : i32
      %dma_start3A_1039 = arith.constant 0 : i32
      %dma_start3A_1040 = tpu.memref_slice %arg2[%dma_start3A_1038, %dma_start3A_1039] : memref<1000000x64xf32, #tpu.memory_space<hbm>> -> memref<1000000x64xf32, #tpu.memory_space<hbm>>
      tpu.enqueue_indirect_dma source(%dma_start3A_1040 : memref<1000000x64xf32, #tpu.memory_space<hbm>>) target(%dma_start3A_1034 : memref<104x64xf32, #tpu.memory_space<vmem>>) offsets(%dma_start3A_1037 : memref<104xi32, #tpu.memory_space<vmem>>) semaphore(%arg8 : memref<!tpu.dma_semaphore, #tpu.memory_space<semaphore_mem>>)
    }
    %scan3A_233 = arith.constant 31 : i32
    %dma_wait3A_234 = arith.constant 0 : i32
    %dma_wait3A_235 = arith.constant 4 : i32
    %dma_wait3A_236 = arith.constant 0 : i32
    %dma_wait3A_237 = arith.constant 0 : i32
    %dma_wait3A_238 = tpu.memref_slice %arg6[%dma_wait3A_235, %dma_wait3A_236, %dma_wait3A_237] : memref<8x104x64xf32, #tpu.memory_space<vmem>> -> memref<1x96x64xf32, #tpu.memory_space<vmem>>
    %dma_wait3A_239 = tpu.memref_squeeze %dma_wait3A_238 : memref<1x96x64xf32, #tpu.memory_space<vmem>> -> memref<96x64xf32, #tpu.memory_space<vmem>>
    %dma_wait3A_240 = arith.constant 0 : i32
    %dma_wait3A_241 = tpu.memref_slice %arg5[%dma_wait3A_234, %dma_wait3A_240] : memref<128x200xi32, #tpu.memory_space<vmem>> -> memref<1x96xi32, #tpu.memory_space<vmem>>
    %dma_wait3A_242 = tpu.memref_squeeze %dma_wait3A_241 : memref<1x96xi32, #tpu.memory_space<vmem>> -> memref<96xi32, #tpu.memory_space<vmem>>
    %dma_wait3A_243 = arith.constant 0 : i32
    %dma_wait3A_244 = arith.constant 0 : i32
    %dma_wait3A_245 = tpu.memref_slice %arg2[%dma_wait3A_243, %dma_wait3A_244] : memref<1000000x64xf32, #tpu.memory_space<hbm>> -> memref<1000000x64xf32, #tpu.memory_space<hbm>>
    tpu.wait_indirect_dma semaphore(%arg8 : memref<!tpu.dma_semaphore, #tpu.memory_space<semaphore_mem>>) src(%dma_wait3A_245 : memref<1000000x64xf32, #tpu.memory_space<hbm>>) dst(%dma_wait3A_239 : memref<96x64xf32, #tpu.memory_space<vmem>>)
    %dma_wait3A_246 = arith.constant 0 : i32
    %dma_wait3A_247 = arith.constant 5 : i32
    %dma_wait3A_248 = arith.constant 0 : i32
    %dma_wait3A_249 = arith.constant 0 : i32
    %dma_wait3A_250 = tpu.memref_slice %arg6[%dma_wait3A_247, %dma_wait3A_248, %dma_wait3A_249] : memref<8x104x64xf32, #tpu.memory_space<vmem>> -> memref<1x104x64xf32, #tpu.memory_space<vmem>>
    %dma_wait3A_251 = tpu.memref_squeeze %dma_wait3A_250 : memref<1x104x64xf32, #tpu.memory_space<vmem>> -> memref<104x64xf32, #tpu.memory_space<vmem>>
    %dma_wait3A_252 = arith.constant 0 : i32
    %dma_wait3A_253 = tpu.memref_slice %arg5[%dma_wait3A_246, %dma_wait3A_252] : memref<128x200xi32, #tpu.memory_space<vmem>> -> memref<1x104xi32, #tpu.memory_space<vmem>>
    %dma_wait3A_254 = tpu.memref_squeeze %dma_wait3A_253 : memref<1x104xi32, #tpu.memory_space<vmem>> -> memref<104xi32, #tpu.memory_space<vmem>>
    %dma_wait3A_255 = arith.constant 0 : i32
    %dma_wait3A_256 = arith.constant 0 : i32
    %dma_wait3A_257 = tpu.memref_slice %arg2[%dma_wait3A_255, %dma_wait3A_256] : memref<1000000x64xf32, #tpu.memory_space<hbm>> -> memref<1000000x64xf32, #tpu.memory_space<hbm>>
    tpu.wait_indirect_dma semaphore(%arg8 : memref<!tpu.dma_semaphore, #tpu.memory_space<semaphore_mem>>) src(%dma_wait3A_257 : memref<1000000x64xf32, #tpu.memory_space<hbm>>) dst(%dma_wait3A_251 : memref<104x64xf32, #tpu.memory_space<vmem>>)
    %dma_wait3A_258 = arith.constant 0 : i32
    %dma_wait3A_259 = arith.constant 6 : i32
    %dma_wait3A_260 = arith.constant 0 : i32
    %dma_wait3A_261 = arith.constant 0 : i32
    %dma_wait3A_262 = tpu.memref_slice %arg6[%dma_wait3A_259, %dma_wait3A_260, %dma_wait3A_261] : memref<8x104x64xf32, #tpu.memory_space<vmem>> -> memref<1x96x64xf32, #tpu.memory_space<vmem>>
    %dma_wait3A_263 = tpu.memref_squeeze %dma_wait3A_262 : memref<1x96x64xf32, #tpu.memory_space<vmem>> -> memref<96x64xf32, #tpu.memory_space<vmem>>
    %dma_wait3A_264 = arith.constant 0 : i32
    %dma_wait3A_265 = tpu.memref_slice %arg5[%dma_wait3A_258, %dma_wait3A_264] : memref<128x200xi32, #tpu.memory_space<vmem>> -> memref<1x96xi32, #tpu.memory_space<vmem>>
    %dma_wait3A_266 = tpu.memref_squeeze %dma_wait3A_265 : memref<1x96xi32, #tpu.memory_space<vmem>> -> memref<96xi32, #tpu.memory_space<vmem>>
    %dma_wait3A_267 = arith.constant 0 : i32
    %dma_wait3A_268 = arith.constant 0 : i32
    %dma_wait3A_269 = tpu.memref_slice %arg2[%dma_wait3A_267, %dma_wait3A_268] : memref<1000000x64xf32, #tpu.memory_space<hbm>> -> memref<1000000x64xf32, #tpu.memory_space<hbm>>
    tpu.wait_indirect_dma semaphore(%arg8 : memref<!tpu.dma_semaphore, #tpu.memory_space<semaphore_mem>>) src(%dma_wait3A_269 : memref<1000000x64xf32, #tpu.memory_space<hbm>>) dst(%dma_wait3A_263 : memref<96x64xf32, #tpu.memory_space<vmem>>)
    %dma_wait3A_270 = arith.constant 0 : i32
    %dma_wait3A_271 = arith.constant 7 : i32
    %dma_wait3A_272 = arith.constant 0 : i32
    %dma_wait3A_273 = arith.constant 0 : i32
    %dma_wait3A_274 = tpu.memref_slice %arg6[%dma_wait3A_271, %dma_wait3A_272, %dma_wait3A_273] : memref<8x104x64xf32, #tpu.memory_space<vmem>> -> memref<1x104x64xf32, #tpu.memory_space<vmem>>
    %dma_wait3A_275 = tpu.memref_squeeze %dma_wait3A_274 : memref<1x104x64xf32, #tpu.memory_space<vmem>> -> memref<104x64xf32, #tpu.memory_space<vmem>>
    %dma_wait3A_276 = arith.constant 0 : i32
    %dma_wait3A_277 = tpu.memref_slice %arg5[%dma_wait3A_270, %dma_wait3A_276] : memref<128x200xi32, #tpu.memory_space<vmem>> -> memref<1x104xi32, #tpu.memory_space<vmem>>
    %dma_wait3A_278 = tpu.memref_squeeze %dma_wait3A_277 : memref<1x104xi32, #tpu.memory_space<vmem>> -> memref<104xi32, #tpu.memory_space<vmem>>
    %dma_wait3A_279 = arith.constant 0 : i32
    %dma_wait3A_280 = arith.constant 0 : i32
    %dma_wait3A_281 = tpu.memref_slice %arg2[%dma_wait3A_279, %dma_wait3A_280] : memref<1000000x64xf32, #tpu.memory_space<hbm>> -> memref<1000000x64xf32, #tpu.memory_space<hbm>>
    tpu.wait_indirect_dma semaphore(%arg8 : memref<!tpu.dma_semaphore, #tpu.memory_space<semaphore_mem>>) src(%dma_wait3A_281 : memref<1000000x64xf32, #tpu.memory_space<hbm>>) dst(%dma_wait3A_275 : memref<104x64xf32, #tpu.memory_space<vmem>>)
    %add3A_282 = arith.constant 126 : i32
    %add3A_283 = arith.addi %mul3A_2, %add3A_282 : i32
    %add3A_284 = arith.constant 0 : i32
    %add3A_285 = arith.addi %add3A_283, %add3A_284 : i32
    %dma_start3A_286 = arith.constant 4 : i32
    %dma_start3A_287 = arith.constant 0 : i32
    %dma_start3A_288 = arith.constant 0 : i32
    %dma_start3A_289 = tpu.memref_slice %arg6[%dma_start3A_286, %dma_start3A_287, %dma_start3A_288] : memref<8x104x64xf32, #tpu.memory_space<vmem>> -> memref<1x96x64xf32, #tpu.memory_space<vmem>>
    %dma_start3A_290 = tpu.memref_squeeze %dma_start3A_289 : memref<1x96x64xf32, #tpu.memory_space<vmem>> -> memref<96x64xf32, #tpu.memory_space<vmem>>
    %dma_start3A_291 = arith.constant 0 : i32
    %dma_start3A_292 = arith.constant 0 : i32
    %dma_start3A_293 = tpu.memref_slice %arg4[%add3A_285, %dma_start3A_291, %dma_start3A_292] : memref<4096x200x64xf32, #tpu.memory_space<hbm>> -> memref<1x96x64xf32, #tpu.memory_space<hbm>>
    %dma_start3A_294 = tpu.memref_squeeze %dma_start3A_293 : memref<1x96x64xf32, #tpu.memory_space<hbm>> -> memref<96x64xf32, #tpu.memory_space<hbm>>
    %dma_start3A_295 = arith.constant 0 : i32
    %dma_start3A_296 = arith.constant 0 : i32
    %dma_start3A_297 = tpu.memref_slice %arg4[%add3A_285, %dma_start3A_295, %dma_start3A_296] : memref<4096x200x64xf32, #tpu.memory_space<hbm>> -> memref<1x96x64xf32, #tpu.memory_space<hbm>>
    %dma_start3A_298 = tpu.memref_squeeze %dma_start3A_297 : memref<1x96x64xf32, #tpu.memory_space<hbm>> -> memref<96x64xf32, #tpu.memory_space<hbm>>
    %dma_start3A_299 = arith.constant 0 : i32
    %dma_start3A_300 = arith.constant 0 : i32
    %dma_start3A_301 = tpu.memref_slice %arg6[%dma_start3A_286, %dma_start3A_299, %dma_start3A_300] : memref<8x104x64xf32, #tpu.memory_space<vmem>> -> memref<1x96x64xf32, #tpu.memory_space<vmem>>
    %dma_start3A_302 = tpu.memref_squeeze %dma_start3A_301 : memref<1x96x64xf32, #tpu.memory_space<vmem>> -> memref<96x64xf32, #tpu.memory_space<vmem>>
    tpu.enqueue_dma source(%dma_start3A_302 : memref<96x64xf32, #tpu.memory_space<vmem>>) target(%dma_start3A_298 : memref<96x64xf32, #tpu.memory_space<hbm>>) target_semaphore(%arg10 : memref<!tpu.dma_semaphore, #tpu.memory_space<semaphore_mem>>)
    %add3A_303 = arith.constant 126 : i32
    %add3A_304 = arith.addi %mul3A_2, %add3A_303 : i32
    %add3A_305 = arith.constant 0 : i32
    %add3A_306 = arith.addi %add3A_304, %add3A_305 : i32
    %dma_start3A_307 = arith.constant 5 : i32
    %dma_start3A_308 = arith.constant 0 : i32
    %dma_start3A_309 = arith.constant 0 : i32
    %dma_start3A_310 = tpu.memref_slice %arg6[%dma_start3A_307, %dma_start3A_308, %dma_start3A_309] : memref<8x104x64xf32, #tpu.memory_space<vmem>> -> memref<1x104x64xf32, #tpu.memory_space<vmem>>
    %dma_start3A_311 = tpu.memref_squeeze %dma_start3A_310 : memref<1x104x64xf32, #tpu.memory_space<vmem>> -> memref<104x64xf32, #tpu.memory_space<vmem>>
    %dma_start3A_312 = arith.constant 96 : i32
    %dma_start3A_313 = arith.constant 0 : i32
    %dma_start3A_314 = tpu.memref_slice %arg4[%add3A_306, %dma_start3A_312, %dma_start3A_313] : memref<4096x200x64xf32, #tpu.memory_space<hbm>> -> memref<1x104x64xf32, #tpu.memory_space<hbm>>
    %dma_start3A_315 = tpu.memref_squeeze %dma_start3A_314 : memref<1x104x64xf32, #tpu.memory_space<hbm>> -> memref<104x64xf32, #tpu.memory_space<hbm>>
    %dma_start3A_316 = arith.constant 96 : i32
    %dma_start3A_317 = arith.constant 0 : i32
    %dma_start3A_318 = tpu.memref_slice %arg4[%add3A_306, %dma_start3A_316, %dma_start3A_317] : memref<4096x200x64xf32, #tpu.memory_space<hbm>> -> memref<1x104x64xf32, #tpu.memory_space<hbm>>
    %dma_start3A_319 = tpu.memref_squeeze %dma_start3A_318 : memref<1x104x64xf32, #tpu.memory_space<hbm>> -> memref<104x64xf32, #tpu.memory_space<hbm>>
    %dma_start3A_320 = arith.constant 0 : i32
    %dma_start3A_321 = arith.constant 0 : i32
    %dma_start3A_322 = tpu.memref_slice %arg6[%dma_start3A_307, %dma_start3A_320, %dma_start3A_321] : memref<8x104x64xf32, #tpu.memory_space<vmem>> -> memref<1x104x64xf32, #tpu.memory_space<vmem>>
    %dma_start3A_323 = tpu.memref_squeeze %dma_start3A_322 : memref<1x104x64xf32, #tpu.memory_space<vmem>> -> memref<104x64xf32, #tpu.memory_space<vmem>>
    tpu.enqueue_dma source(%dma_start3A_323 : memref<104x64xf32, #tpu.memory_space<vmem>>) target(%dma_start3A_319 : memref<104x64xf32, #tpu.memory_space<hbm>>) target_semaphore(%arg10 : memref<!tpu.dma_semaphore, #tpu.memory_space<semaphore_mem>>)
    %add3A_324 = arith.constant 126 : i32
    %add3A_325 = arith.addi %mul3A_2, %add3A_324 : i32
    %add3A_326 = arith.constant 1 : i32
    %add3A_327 = arith.addi %add3A_325, %add3A_326 : i32
    %dma_start3A_328 = arith.constant 6 : i32
    %dma_start3A_329 = arith.constant 0 : i32
    %dma_start3A_330 = arith.constant 0 : i32
    %dma_start3A_331 = tpu.memref_slice %arg6[%dma_start3A_328, %dma_start3A_329, %dma_start3A_330] : memref<8x104x64xf32, #tpu.memory_space<vmem>> -> memref<1x96x64xf32, #tpu.memory_space<vmem>>
    %dma_start3A_332 = tpu.memref_squeeze %dma_start3A_331 : memref<1x96x64xf32, #tpu.memory_space<vmem>> -> memref<96x64xf32, #tpu.memory_space<vmem>>
    %dma_start3A_333 = arith.constant 0 : i32
    %dma_start3A_334 = arith.constant 0 : i32
    %dma_start3A_335 = tpu.memref_slice %arg4[%add3A_327, %dma_start3A_333, %dma_start3A_334] : memref<4096x200x64xf32, #tpu.memory_space<hbm>> -> memref<1x96x64xf32, #tpu.memory_space<hbm>>
    %dma_start3A_336 = tpu.memref_squeeze %dma_start3A_335 : memref<1x96x64xf32, #tpu.memory_space<hbm>> -> memref<96x64xf32, #tpu.memory_space<hbm>>
    %dma_start3A_337 = arith.constant 0 : i32
    %dma_start3A_338 = arith.constant 0 : i32
    %dma_start3A_339 = tpu.memref_slice %arg4[%add3A_327, %dma_start3A_337, %dma_start3A_338] : memref<4096x200x64xf32, #tpu.memory_space<hbm>> -> memref<1x96x64xf32, #tpu.memory_space<hbm>>
    %dma_start3A_340 = tpu.memref_squeeze %dma_start3A_339 : memref<1x96x64xf32, #tpu.memory_space<hbm>> -> memref<96x64xf32, #tpu.memory_space<hbm>>
    %dma_start3A_341 = arith.constant 0 : i32
    %dma_start3A_342 = arith.constant 0 : i32
    %dma_start3A_343 = tpu.memref_slice %arg6[%dma_start3A_328, %dma_start3A_341, %dma_start3A_342] : memref<8x104x64xf32, #tpu.memory_space<vmem>> -> memref<1x96x64xf32, #tpu.memory_space<vmem>>
    %dma_start3A_344 = tpu.memref_squeeze %dma_start3A_343 : memref<1x96x64xf32, #tpu.memory_space<vmem>> -> memref<96x64xf32, #tpu.memory_space<vmem>>
    tpu.enqueue_dma source(%dma_start3A_344 : memref<96x64xf32, #tpu.memory_space<vmem>>) target(%dma_start3A_340 : memref<96x64xf32, #tpu.memory_space<hbm>>) target_semaphore(%arg10 : memref<!tpu.dma_semaphore, #tpu.memory_space<semaphore_mem>>)
    %add3A_345 = arith.constant 126 : i32
    %add3A_346 = arith.addi %mul3A_2, %add3A_345 : i32
    %add3A_347 = arith.constant 1 : i32
    %add3A_348 = arith.addi %add3A_346, %add3A_347 : i32
    %dma_start3A_349 = arith.constant 7 : i32
    %dma_start3A_350 = arith.constant 0 : i32
    %dma_start3A_351 = arith.constant 0 : i32
    %dma_start3A_352 = tpu.memref_slice %arg6[%dma_start3A_349, %dma_start3A_350, %dma_start3A_351] : memref<8x104x64xf32, #tpu.memory_space<vmem>> -> memref<1x104x64xf32, #tpu.memory_space<vmem>>
    %dma_start3A_353 = tpu.memref_squeeze %dma_start3A_352 : memref<1x104x64xf32, #tpu.memory_space<vmem>> -> memref<104x64xf32, #tpu.memory_space<vmem>>
    %dma_start3A_354 = arith.constant 96 : i32
    %dma_start3A_355 = arith.constant 0 : i32
    %dma_start3A_356 = tpu.memref_slice %arg4[%add3A_348, %dma_start3A_354, %dma_start3A_355] : memref<4096x200x64xf32, #tpu.memory_space<hbm>> -> memref<1x104x64xf32, #tpu.memory_space<hbm>>
    %dma_start3A_357 = tpu.memref_squeeze %dma_start3A_356 : memref<1x104x64xf32, #tpu.memory_space<hbm>> -> memref<104x64xf32, #tpu.memory_space<hbm>>
    %dma_start3A_358 = arith.constant 96 : i32
    %dma_start3A_359 = arith.constant 0 : i32
    %dma_start3A_360 = tpu.memref_slice %arg4[%add3A_348, %dma_start3A_358, %dma_start3A_359] : memref<4096x200x64xf32, #tpu.memory_space<hbm>> -> memref<1x104x64xf32, #tpu.memory_space<hbm>>
    %dma_start3A_361 = tpu.memref_squeeze %dma_start3A_360 : memref<1x104x64xf32, #tpu.memory_space<hbm>> -> memref<104x64xf32, #tpu.memory_space<hbm>>
    %dma_start3A_362 = arith.constant 0 : i32
    %dma_start3A_363 = arith.constant 0 : i32
    %dma_start3A_364 = tpu.memref_slice %arg6[%dma_start3A_349, %dma_start3A_362, %dma_start3A_363] : memref<8x104x64xf32, #tpu.memory_space<vmem>> -> memref<1x104x64xf32, #tpu.memory_space<vmem>>
    %dma_start3A_365 = tpu.memref_squeeze %dma_start3A_364 : memref<1x104x64xf32, #tpu.memory_space<vmem>> -> memref<104x64xf32, #tpu.memory_space<vmem>>
    tpu.enqueue_dma source(%dma_start3A_365 : memref<104x64xf32, #tpu.memory_space<vmem>>) target(%dma_start3A_361 : memref<104x64xf32, #tpu.memory_space<hbm>>) target_semaphore(%arg10 : memref<!tpu.dma_semaphore, #tpu.memory_space<semaphore_mem>>)
    %dma_wait3A_366 = arith.constant 0 : i32
    %dma_wait3A_367 = arith.constant 0 : i32
    %dma_wait3A_368 = arith.constant 0 : i32
    %dma_wait3A_369 = tpu.memref_slice %arg6[%dma_wait3A_366, %dma_wait3A_367, %dma_wait3A_368] : memref<8x104x64xf32, #tpu.memory_space<vmem>> -> memref<1x96x64xf32, #tpu.memory_space<vmem>>
    %dma_wait3A_370 = tpu.memref_squeeze %dma_wait3A_369 : memref<1x96x64xf32, #tpu.memory_space<vmem>> -> memref<96x64xf32, #tpu.memory_space<vmem>>
    %dma_wait3A_371 = arith.constant 0 : i32
    %dma_wait3A_372 = arith.constant 0 : i32
    %dma_wait3A_373 = tpu.memref_slice %arg4[%mul3A_2, %dma_wait3A_371, %dma_wait3A_372] : memref<4096x200x64xf32, #tpu.memory_space<hbm>> -> memref<1x96x64xf32, #tpu.memory_space<hbm>>
    %dma_wait3A_374 = tpu.memref_squeeze %dma_wait3A_373 : memref<1x96x64xf32, #tpu.memory_space<hbm>> -> memref<96x64xf32, #tpu.memory_space<hbm>>
    %dma_wait3A_375 = arith.constant 0 : i32
    %dma_wait3A_376 = arith.constant 0 : i32
    %dma_wait3A_377 = tpu.memref_slice %arg4[%mul3A_2, %dma_wait3A_375, %dma_wait3A_376] : memref<4096x200x64xf32, #tpu.memory_space<hbm>> -> memref<1x96x64xf32, #tpu.memory_space<hbm>>
    %dma_wait3A_378 = tpu.memref_squeeze %dma_wait3A_377 : memref<1x96x64xf32, #tpu.memory_space<hbm>> -> memref<96x64xf32, #tpu.memory_space<hbm>>
    %dma_wait3A_379 = arith.constant 0 : i32
    %dma_wait3A_380 = arith.constant 0 : i32
    %dma_wait3A_381 = tpu.memref_slice %arg6[%dma_wait3A_366, %dma_wait3A_379, %dma_wait3A_380] : memref<8x104x64xf32, #tpu.memory_space<vmem>> -> memref<1x96x64xf32, #tpu.memory_space<vmem>>
    %dma_wait3A_382 = tpu.memref_squeeze %dma_wait3A_381 : memref<1x96x64xf32, #tpu.memory_space<vmem>> -> memref<96x64xf32, #tpu.memory_space<vmem>>
    tpu.wait_dma2 semaphore(%arg9 : memref<!tpu.dma_semaphore, #tpu.memory_space<semaphore_mem>>) src(%dma_wait3A_382 : memref<96x64xf32, #tpu.memory_space<vmem>>) dst(%dma_wait3A_378 : memref<96x64xf32, #tpu.memory_space<hbm>>)
    %dma_wait3A_383 = arith.constant 1 : i32
    %dma_wait3A_384 = arith.constant 0 : i32
    %dma_wait3A_385 = arith.constant 0 : i32
    %dma_wait3A_386 = tpu.memref_slice %arg6[%dma_wait3A_383, %dma_wait3A_384, %dma_wait3A_385] : memref<8x104x64xf32, #tpu.memory_space<vmem>> -> memref<1x104x64xf32, #tpu.memory_space<vmem>>
    %dma_wait3A_387 = tpu.memref_squeeze %dma_wait3A_386 : memref<1x104x64xf32, #tpu.memory_space<vmem>> -> memref<104x64xf32, #tpu.memory_space<vmem>>
    %dma_wait3A_388 = arith.constant 96 : i32
    %dma_wait3A_389 = arith.constant 0 : i32
    %dma_wait3A_390 = tpu.memref_slice %arg4[%mul3A_2, %dma_wait3A_388, %dma_wait3A_389] : memref<4096x200x64xf32, #tpu.memory_space<hbm>> -> memref<1x104x64xf32, #tpu.memory_space<hbm>>
    %dma_wait3A_391 = tpu.memref_squeeze %dma_wait3A_390 : memref<1x104x64xf32, #tpu.memory_space<hbm>> -> memref<104x64xf32, #tpu.memory_space<hbm>>
    %dma_wait3A_392 = arith.constant 96 : i32
    %dma_wait3A_393 = arith.constant 0 : i32
    %dma_wait3A_394 = tpu.memref_slice %arg4[%mul3A_2, %dma_wait3A_392, %dma_wait3A_393] : memref<4096x200x64xf32, #tpu.memory_space<hbm>> -> memref<1x104x64xf32, #tpu.memory_space<hbm>>
    %dma_wait3A_395 = tpu.memref_squeeze %dma_wait3A_394 : memref<1x104x64xf32, #tpu.memory_space<hbm>> -> memref<104x64xf32, #tpu.memory_space<hbm>>
    %dma_wait3A_396 = arith.constant 0 : i32
    %dma_wait3A_397 = arith.constant 0 : i32
    %dma_wait3A_398 = tpu.memref_slice %arg6[%dma_wait3A_383, %dma_wait3A_396, %dma_wait3A_397] : memref<8x104x64xf32, #tpu.memory_space<vmem>> -> memref<1x104x64xf32, #tpu.memory_space<vmem>>
    %dma_wait3A_399 = tpu.memref_squeeze %dma_wait3A_398 : memref<1x104x64xf32, #tpu.memory_space<vmem>> -> memref<104x64xf32, #tpu.memory_space<vmem>>
    tpu.wait_dma2 semaphore(%arg9 : memref<!tpu.dma_semaphore, #tpu.memory_space<semaphore_mem>>) src(%dma_wait3A_399 : memref<104x64xf32, #tpu.memory_space<vmem>>) dst(%dma_wait3A_395 : memref<104x64xf32, #tpu.memory_space<hbm>>)
    %dma_wait3A_400 = arith.constant 2 : i32
    %dma_wait3A_401 = arith.constant 0 : i32
    %dma_wait3A_402 = arith.constant 0 : i32
    %dma_wait3A_403 = tpu.memref_slice %arg6[%dma_wait3A_400, %dma_wait3A_401, %dma_wait3A_402] : memref<8x104x64xf32, #tpu.memory_space<vmem>> -> memref<1x96x64xf32, #tpu.memory_space<vmem>>
    %dma_wait3A_404 = tpu.memref_squeeze %dma_wait3A_403 : memref<1x96x64xf32, #tpu.memory_space<vmem>> -> memref<96x64xf32, #tpu.memory_space<vmem>>
    %dma_wait3A_405 = arith.constant 0 : i32
    %dma_wait3A_406 = arith.constant 0 : i32
    %dma_wait3A_407 = tpu.memref_slice %arg4[%mul3A_2, %dma_wait3A_405, %dma_wait3A_406] : memref<4096x200x64xf32, #tpu.memory_space<hbm>> -> memref<1x96x64xf32, #tpu.memory_space<hbm>>
    %dma_wait3A_408 = tpu.memref_squeeze %dma_wait3A_407 : memref<1x96x64xf32, #tpu.memory_space<hbm>> -> memref<96x64xf32, #tpu.memory_space<hbm>>
    %dma_wait3A_409 = arith.constant 0 : i32
    %dma_wait3A_410 = arith.constant 0 : i32
    %dma_wait3A_411 = tpu.memref_slice %arg4[%mul3A_2, %dma_wait3A_409, %dma_wait3A_410] : memref<4096x200x64xf32, #tpu.memory_space<hbm>> -> memref<1x96x64xf32, #tpu.memory_space<hbm>>
    %dma_wait3A_412 = tpu.memref_squeeze %dma_wait3A_411 : memref<1x96x64xf32, #tpu.memory_space<hbm>> -> memref<96x64xf32, #tpu.memory_space<hbm>>
    %dma_wait3A_413 = arith.constant 0 : i32
    %dma_wait3A_414 = arith.constant 0 : i32
    %dma_wait3A_415 = tpu.memref_slice %arg6[%dma_wait3A_400, %dma_wait3A_413, %dma_wait3A_414] : memref<8x104x64xf32, #tpu.memory_space<vmem>> -> memref<1x96x64xf32, #tpu.memory_space<vmem>>
    %dma_wait3A_416 = tpu.memref_squeeze %dma_wait3A_415 : memref<1x96x64xf32, #tpu.memory_space<vmem>> -> memref<96x64xf32, #tpu.memory_space<vmem>>
    tpu.wait_dma2 semaphore(%arg9 : memref<!tpu.dma_semaphore, #tpu.memory_space<semaphore_mem>>) src(%dma_wait3A_416 : memref<96x64xf32, #tpu.memory_space<vmem>>) dst(%dma_wait3A_412 : memref<96x64xf32, #tpu.memory_space<hbm>>)
    %dma_wait3A_417 = arith.constant 3 : i32
    %dma_wait3A_418 = arith.constant 0 : i32
    %dma_wait3A_419 = arith.constant 0 : i32
    %dma_wait3A_420 = tpu.memref_slice %arg6[%dma_wait3A_417, %dma_wait3A_418, %dma_wait3A_419] : memref<8x104x64xf32, #tpu.memory_space<vmem>> -> memref<1x104x64xf32, #tpu.memory_space<vmem>>
    %dma_wait3A_421 = tpu.memref_squeeze %dma_wait3A_420 : memref<1x104x64xf32, #tpu.memory_space<vmem>> -> memref<104x64xf32, #tpu.memory_space<vmem>>
    %dma_wait3A_422 = arith.constant 96 : i32
    %dma_wait3A_423 = arith.constant 0 : i32
    %dma_wait3A_424 = tpu.memref_slice %arg4[%mul3A_2, %dma_wait3A_422, %dma_wait3A_423] : memref<4096x200x64xf32, #tpu.memory_space<hbm>> -> memref<1x104x64xf32, #tpu.memory_space<hbm>>
    %dma_wait3A_425 = tpu.memref_squeeze %dma_wait3A_424 : memref<1x104x64xf32, #tpu.memory_space<hbm>> -> memref<104x64xf32, #tpu.memory_space<hbm>>
    %dma_wait3A_426 = arith.constant 96 : i32
    %dma_wait3A_427 = arith.constant 0 : i32
    %dma_wait3A_428 = tpu.memref_slice %arg4[%mul3A_2, %dma_wait3A_426, %dma_wait3A_427] : memref<4096x200x64xf32, #tpu.memory_space<hbm>> -> memref<1x104x64xf32, #tpu.memory_space<hbm>>
    %dma_wait3A_429 = tpu.memref_squeeze %dma_wait3A_428 : memref<1x104x64xf32, #tpu.memory_space<hbm>> -> memref<104x64xf32, #tpu.memory_space<hbm>>
    %dma_wait3A_430 = arith.constant 0 : i32
    %dma_wait3A_431 = arith.constant 0 : i32
    %dma_wait3A_432 = tpu.memref_slice %arg6[%dma_wait3A_417, %dma_wait3A_430, %dma_wait3A_431] : memref<8x104x64xf32, #tpu.memory_space<vmem>> -> memref<1x104x64xf32, #tpu.memory_space<vmem>>
    %dma_wait3A_433 = tpu.memref_squeeze %dma_wait3A_432 : memref<1x104x64xf32, #tpu.memory_space<vmem>> -> memref<104x64xf32, #tpu.memory_space<vmem>>
    tpu.wait_dma2 semaphore(%arg9 : memref<!tpu.dma_semaphore, #tpu.memory_space<semaphore_mem>>) src(%dma_wait3A_433 : memref<104x64xf32, #tpu.memory_space<vmem>>) dst(%dma_wait3A_429 : memref<104x64xf32, #tpu.memory_space<hbm>>)
    %dma_wait3A_434 = arith.constant 4 : i32
    %dma_wait3A_435 = arith.constant 0 : i32
    %dma_wait3A_436 = arith.constant 0 : i32
    %dma_wait3A_437 = tpu.memref_slice %arg6[%dma_wait3A_434, %dma_wait3A_435, %dma_wait3A_436] : memref<8x104x64xf32, #tpu.memory_space<vmem>> -> memref<1x96x64xf32, #tpu.memory_space<vmem>>
    %dma_wait3A_438 = tpu.memref_squeeze %dma_wait3A_437 : memref<1x96x64xf32, #tpu.memory_space<vmem>> -> memref<96x64xf32, #tpu.memory_space<vmem>>
    %dma_wait3A_439 = arith.constant 0 : i32
    %dma_wait3A_440 = arith.constant 0 : i32
    %dma_wait3A_441 = tpu.memref_slice %arg4[%mul3A_2, %dma_wait3A_439, %dma_wait3A_440] : memref<4096x200x64xf32, #tpu.memory_space<hbm>> -> memref<1x96x64xf32, #tpu.memory_space<hbm>>
    %dma_wait3A_442 = tpu.memref_squeeze %dma_wait3A_441 : memref<1x96x64xf32, #tpu.memory_space<hbm>> -> memref<96x64xf32, #tpu.memory_space<hbm>>
    %dma_wait3A_443 = arith.constant 0 : i32
    %dma_wait3A_444 = arith.constant 0 : i32
    %dma_wait3A_445 = tpu.memref_slice %arg4[%mul3A_2, %dma_wait3A_443, %dma_wait3A_444] : memref<4096x200x64xf32, #tpu.memory_space<hbm>> -> memref<1x96x64xf32, #tpu.memory_space<hbm>>
    %dma_wait3A_446 = tpu.memref_squeeze %dma_wait3A_445 : memref<1x96x64xf32, #tpu.memory_space<hbm>> -> memref<96x64xf32, #tpu.memory_space<hbm>>
    %dma_wait3A_447 = arith.constant 0 : i32
    %dma_wait3A_448 = arith.constant 0 : i32
    %dma_wait3A_449 = tpu.memref_slice %arg6[%dma_wait3A_434, %dma_wait3A_447, %dma_wait3A_448] : memref<8x104x64xf32, #tpu.memory_space<vmem>> -> memref<1x96x64xf32, #tpu.memory_space<vmem>>
    %dma_wait3A_450 = tpu.memref_squeeze %dma_wait3A_449 : memref<1x96x64xf32, #tpu.memory_space<vmem>> -> memref<96x64xf32, #tpu.memory_space<vmem>>
    tpu.wait_dma2 semaphore(%arg10 : memref<!tpu.dma_semaphore, #tpu.memory_space<semaphore_mem>>) src(%dma_wait3A_450 : memref<96x64xf32, #tpu.memory_space<vmem>>) dst(%dma_wait3A_446 : memref<96x64xf32, #tpu.memory_space<hbm>>)
    %dma_wait3A_451 = arith.constant 5 : i32
    %dma_wait3A_452 = arith.constant 0 : i32
    %dma_wait3A_453 = arith.constant 0 : i32
    %dma_wait3A_454 = tpu.memref_slice %arg6[%dma_wait3A_451, %dma_wait3A_452, %dma_wait3A_453] : memref<8x104x64xf32, #tpu.memory_space<vmem>> -> memref<1x104x64xf32, #tpu.memory_space<vmem>>
    %dma_wait3A_455 = tpu.memref_squeeze %dma_wait3A_454 : memref<1x104x64xf32, #tpu.memory_space<vmem>> -> memref<104x64xf32, #tpu.memory_space<vmem>>
    %dma_wait3A_456 = arith.constant 96 : i32
    %dma_wait3A_457 = arith.constant 0 : i32
    %dma_wait3A_458 = tpu.memref_slice %arg4[%mul3A_2, %dma_wait3A_456, %dma_wait3A_457] : memref<4096x200x64xf32, #tpu.memory_space<hbm>> -> memref<1x104x64xf32, #tpu.memory_space<hbm>>
    %dma_wait3A_459 = tpu.memref_squeeze %dma_wait3A_458 : memref<1x104x64xf32, #tpu.memory_space<hbm>> -> memref<104x64xf32, #tpu.memory_space<hbm>>
    %dma_wait3A_460 = arith.constant 96 : i32
    %dma_wait3A_461 = arith.constant 0 : i32
    %dma_wait3A_462 = tpu.memref_slice %arg4[%mul3A_2, %dma_wait3A_460, %dma_wait3A_461] : memref<4096x200x64xf32, #tpu.memory_space<hbm>> -> memref<1x104x64xf32, #tpu.memory_space<hbm>>
    %dma_wait3A_463 = tpu.memref_squeeze %dma_wait3A_462 : memref<1x104x64xf32, #tpu.memory_space<hbm>> -> memref<104x64xf32, #tpu.memory_space<hbm>>
    %dma_wait3A_464 = arith.constant 0 : i32
    %dma_wait3A_465 = arith.constant 0 : i32
    %dma_wait3A_466 = tpu.memref_slice %arg6[%dma_wait3A_451, %dma_wait3A_464, %dma_wait3A_465] : memref<8x104x64xf32, #tpu.memory_space<vmem>> -> memref<1x104x64xf32, #tpu.memory_space<vmem>>
    %dma_wait3A_467 = tpu.memref_squeeze %dma_wait3A_466 : memref<1x104x64xf32, #tpu.memory_space<vmem>> -> memref<104x64xf32, #tpu.memory_space<vmem>>
    tpu.wait_dma2 semaphore(%arg10 : memref<!tpu.dma_semaphore, #tpu.memory_space<semaphore_mem>>) src(%dma_wait3A_467 : memref<104x64xf32, #tpu.memory_space<vmem>>) dst(%dma_wait3A_463 : memref<104x64xf32, #tpu.memory_space<hbm>>)
    %dma_wait3A_468 = arith.constant 6 : i32
    %dma_wait3A_469 = arith.constant 0 : i32
    %dma_wait3A_470 = arith.constant 0 : i32
    %dma_wait3A_471 = tpu.memref_slice %arg6[%dma_wait3A_468, %dma_wait3A_469, %dma_wait3A_470] : memref<8x104x64xf32, #tpu.memory_space<vmem>> -> memref<1x96x64xf32, #tpu.memory_space<vmem>>
    %dma_wait3A_472 = tpu.memref_squeeze %dma_wait3A_471 : memref<1x96x64xf32, #tpu.memory_space<vmem>> -> memref<96x64xf32, #tpu.memory_space<vmem>>
    %dma_wait3A_473 = arith.constant 0 : i32
    %dma_wait3A_474 = arith.constant 0 : i32
    %dma_wait3A_475 = tpu.memref_slice %arg4[%mul3A_2, %dma_wait3A_473, %dma_wait3A_474] : memref<4096x200x64xf32, #tpu.memory_space<hbm>> -> memref<1x96x64xf32, #tpu.memory_space<hbm>>
    %dma_wait3A_476 = tpu.memref_squeeze %dma_wait3A_475 : memref<1x96x64xf32, #tpu.memory_space<hbm>> -> memref<96x64xf32, #tpu.memory_space<hbm>>
    %dma_wait3A_477 = arith.constant 0 : i32
    %dma_wait3A_478 = arith.constant 0 : i32
    %dma_wait3A_479 = tpu.memref_slice %arg4[%mul3A_2, %dma_wait3A_477, %dma_wait3A_478] : memref<4096x200x64xf32, #tpu.memory_space<hbm>> -> memref<1x96x64xf32, #tpu.memory_space<hbm>>
    %dma_wait3A_480 = tpu.memref_squeeze %dma_wait3A_479 : memref<1x96x64xf32, #tpu.memory_space<hbm>> -> memref<96x64xf32, #tpu.memory_space<hbm>>
    %dma_wait3A_481 = arith.constant 0 : i32
    %dma_wait3A_482 = arith.constant 0 : i32
    %dma_wait3A_483 = tpu.memref_slice %arg6[%dma_wait3A_468, %dma_wait3A_481, %dma_wait3A_482] : memref<8x104x64xf32, #tpu.memory_space<vmem>> -> memref<1x96x64xf32, #tpu.memory_space<vmem>>
    %dma_wait3A_484 = tpu.memref_squeeze %dma_wait3A_483 : memref<1x96x64xf32, #tpu.memory_space<vmem>> -> memref<96x64xf32, #tpu.memory_space<vmem>>
    tpu.wait_dma2 semaphore(%arg10 : memref<!tpu.dma_semaphore, #tpu.memory_space<semaphore_mem>>) src(%dma_wait3A_484 : memref<96x64xf32, #tpu.memory_space<vmem>>) dst(%dma_wait3A_480 : memref<96x64xf32, #tpu.memory_space<hbm>>)
    %dma_wait3A_485 = arith.constant 7 : i32
    %dma_wait3A_486 = arith.constant 0 : i32
    %dma_wait3A_487 = arith.constant 0 : i32
    %dma_wait3A_488 = tpu.memref_slice %arg6[%dma_wait3A_485, %dma_wait3A_486, %dma_wait3A_487] : memref<8x104x64xf32, #tpu.memory_space<vmem>> -> memref<1x104x64xf32, #tpu.memory_space<vmem>>
    %dma_wait3A_489 = tpu.memref_squeeze %dma_wait3A_488 : memref<1x104x64xf32, #tpu.memory_space<vmem>> -> memref<104x64xf32, #tpu.memory_space<vmem>>
    %dma_wait3A_490 = arith.constant 96 : i32
    %dma_wait3A_491 = arith.constant 0 : i32
    %dma_wait3A_492 = tpu.memref_slice %arg4[%mul3A_2, %dma_wait3A_490, %dma_wait3A_491] : memref<4096x200x64xf32, #tpu.memory_space<hbm>> -> memref<1x104x64xf32, #tpu.memory_space<hbm>>
    %dma_wait3A_493 = tpu.memref_squeeze %dma_wait3A_492 : memref<1x104x64xf32, #tpu.memory_space<hbm>> -> memref<104x64xf32, #tpu.memory_space<hbm>>
    %dma_wait3A_494 = arith.constant 96 : i32
    %dma_wait3A_495 = arith.constant 0 : i32
    %dma_wait3A_496 = tpu.memref_slice %arg4[%mul3A_2, %dma_wait3A_494, %dma_wait3A_495] : memref<4096x200x64xf32, #tpu.memory_space<hbm>> -> memref<1x104x64xf32, #tpu.memory_space<hbm>>
    %dma_wait3A_497 = tpu.memref_squeeze %dma_wait3A_496 : memref<1x104x64xf32, #tpu.memory_space<hbm>> -> memref<104x64xf32, #tpu.memory_space<hbm>>
    %dma_wait3A_498 = arith.constant 0 : i32
    %dma_wait3A_499 = arith.constant 0 : i32
    %dma_wait3A_500 = tpu.memref_slice %arg6[%dma_wait3A_485, %dma_wait3A_498, %dma_wait3A_499] : memref<8x104x64xf32, #tpu.memory_space<vmem>> -> memref<1x104x64xf32, #tpu.memory_space<vmem>>
    %dma_wait3A_501 = tpu.memref_squeeze %dma_wait3A_500 : memref<1x104x64xf32, #tpu.memory_space<vmem>> -> memref<104x64xf32, #tpu.memory_space<vmem>>
    tpu.wait_dma2 semaphore(%arg10 : memref<!tpu.dma_semaphore, #tpu.memory_space<semaphore_mem>>) src(%dma_wait3A_501 : memref<104x64xf32, #tpu.memory_space<vmem>>) dst(%dma_wait3A_497 : memref<104x64xf32, #tpu.memory_space<hbm>>)
    return
  }
}

</mosaic_0001>

<sc_bundles>
// kernel: kernel.3.cloned.1.call-start
scs
__scs_entry_jumppad:
0x0: {  	(pc) =	sbr.rel $0x88, $3  }
0x1: {  	(tag) =	ssettag $0x0;
	lr =	simm.s32 $0x1  }
0x2: {  	[smem:$0x3F9F] =	sst lr;
	_ =	strace $0xD0000000  }
0x3: {  	_ = 	snop  }
0x4: {  	_ = 	snop  }
0x5: {  	_ = 	snop  }
0x6: {  	_ = 	snop  }
0x7: {  	_ = 	snop  }
__scs_overlays_trampoline_lowered:
0x8: {  	[smem:$0x3FAE] =	sst s0  }
0x9: {  	[smem:$0x3FAF] =	sst s1  }
0xa: {  	[smem:$0x3FB0] =	sst s2  }
0xb: {  	[smem:$0x3FB1] =	sst s3  }
0xc: {  	[smem:$0x3FB2] =	sst s4  }
0xd: {  	[smem:$0x3FB3] =	sst s5  }
0xe: {  	[smem:$0x3FB4] =	sst s6  }
0xf: {  	[smem:$0x3FB5] =	sst s7  }
0x10: {  	[smem:$0x3FB6] =	sst s8  }
0x11: {  	[smem:$0x3FB7] =	sst s9;
	s0 =	simm.s32 @!p0 $0x0  }
0x12: {  	s1 =	sld [smem:$0x3F9D];
	s0 =	simm.s32 @p0 $0x1  }
0x13: {  	[smem:$0x3FB8] =	sst s0;
	s0 =	simm.s32 @!p1 $0x0  }
0x14: {  	s2 =	sld [smem:$0x3F9C];
	s0 =	simm.s32 @p1 $0x1  }
0x15: {  	[smem:$0x3FB9] =	sst s0;
	s0 =	simm.s32 @!p2 $0x0  }
0x16: {  	s3 =	sld [smem:$0x3FDB];
	s0 =	simm.s32 @p2 $0x1  }
0x17: {  	s4 =	simm.s32 $0x1BF5;
	[smem:$0x3FBB] =	sst s0  }
0x18: {  	s0 =	sld [smem:$0x3F9E];
	_ =	swait.ge [sflag:s4], $0x0  }
0x19: {  	s7 =	sld [smem:$0x3F9F]  }
0x1a: {  	s8 =	sadd.s32 $0xFFFFE003, lr  }
0x1b: {  	s9 =	sadd.s32 $0xFFFFFEF7, lr;
	s5 =	simm.s32 $0xFFFFFFFF;
	p2 =	slt.u32 s8, $0xFFFFF086  }
0x1c: {  	p1 =	slt.u32 s9, $0xF7A;
	s5 =	simm.s32 @!p2 $0x0  }
0x1d: {  	s5 =	simm.s32 @p1 $0x1;
	p0 =	seq.s32 s7, s2  }
0x1e: {  	s7 =	smul.u32 @!p0 $0xF7A, s2;
	p2 =	seq.s32 @!p0 s5, $0x0  }
0x1f: {  	s9 =	smul.u32 $0xF7A, s1;
	s8 =	simm.s32 @!p0 $0x1BF5;
	p2 =	por !p2, p0  }
0x20: {  	[sflag:s8] =	ssyncset.s32 @!p0 $0xFFFFF086;
	s6 =	sadd.s32 @!p0 s3, s7;
	s7 =	simm.s32 @!p0 $0x108  }
0x21: {  	s3 =	sadd.s32 s3, s9;
	s6 =	sadd.s32 @!p0 $0x88, s6;
	s7 =	simm.s32 @p2 $0x1082  }
0x22: {  	[simem:s7], [sflag:s8] =	dma.local @!p0 [hbm:s6], $0xF7A  }
0x23: {  	s9 =	sor.u32 $0xD0000000, s2;
	s6 =	simm.s32 $0x108;
	_ =	swait.ge @!p0 [sflag:s8], $0x0  }
0x24: {  	s3 =	sadd.s32 $0x88, s3;
	s6 =	simm.s32 @!p1 $0x1082;
	[sflag:s4] =	ssyncset.s32 $0xFFFFF086  }
0x25: {  	[simem:s6], [sflag:s4] =	dma.local [hbm:s3], $0xF7A  }
0x26: {  	[smem:$0x3F9F] =	sst s1;
	(tag) =	ssettag s2;
	_ =	strace s9  }
0x27: {  	s1 =	sld [smem:$0x3FAF]  }
0x28: {  	s2 =	sld [smem:$0x3FB0]  }
0x29: {  	s4 =	sld [smem:$0x3FB2]  }
0x2a: {  	p0 =	seq.s32 s5, $0x0;
	s5 =	sld [smem:$0x3FB3]  }
0x2b: {  	s6 =	sld [smem:$0x3FB4]  }
0x2c: {  	s7 =	sld [smem:$0x3FB5]  }
0x2d: {  	s3 =	simm.s32 $0x108;
	s8 =	sld [smem:$0x3FB6]  }
0x2e: {  	s3 =	simm.s32 @!p0 $0x1082;
	s9 =	sld [smem:$0x3FB7]  }
0x2f: {  	lr =	sadd.s32 s0, s3;
	s0 =	sld [smem:$0x3FAE]  }
0x30: {  	s3 =	sld [smem:$0x3FB1]  }
0x31: {  	[smem:$0x3FBA] =	sst s10  }
0x32: {  	s10 =	sld [smem:$0x3FB8];
	_ =	sdelay $0x3  }
0x33: {  	p0 =	seq.s32 s10, $0x1;
	s10 =	sld [smem:$0x3FBA];
	_ =	sdelay $0x3  }
0x34: {  	[smem:$0x3FBA] =	sst s10  }
0x35: {  	s10 =	sld [smem:$0x3FB9];
	_ =	sdelay $0x3  }
0x36: {  	p1 =	seq.s32 s10, $0x1;
	s10 =	sld [smem:$0x3FBA];
	_ =	sdelay $0x3  }
0x37: {  	[smem:$0x3FBA] =	sst s10  }
0x38: {  	s10 =	sld [smem:$0x3FBB]  }
0x39: {  	_ = 	snop;
	(pc) =	sbr.ind lr, $3  }
0x3a: {  	_ = 	snop  }
0x3b: {  	_ = 	snop  }
0x3c: {  	p2 =	seq.s32 s10, $0x1;
	s10 =	sld [smem:$0x3FBA]  }
0x3d: {  	_ =	shalt  }
0x3e: {  	_ =	shalt  }
0x3f: {  	_ =	shalt  }
0x40: {  	_ =	shalt  }
0x41: {  	_ =	shalt  }
0x42: {  	_ =	shalt  }
0x43: {  	_ =	shalt  }
0x44: {  	_ =	shalt  }
0x45: {  	_ =	shalt  }
0x46: {  	_ =	shalt  }
0x47: {  	_ =	shalt  }
0x48: {  	_ =	shalt  }
0x49: {  	_ =	shalt  }
0x4a: {  	_ =	shalt  }
0x4b: {  	_ =	shalt  }
0x4c: {  	_ =	shalt  }
0x4d: {  	_ =	shalt  }
0x4e: {  	_ =	shalt  }
0x4f: {  	_ =	shalt  }
0x50: {  	_ =	shalt  }
0x51: {  	_ =	shalt  }
0x52: {  	_ =	shalt  }
0x53: {  	_ =	shalt  }
0x54: {  	_ =	shalt  }
0x55: {  	_ =	shalt  }
0x56: {  	_ =	shalt  }
0x57: {  	_ =	shalt  }
0x58: {  	_ =	shalt  }
0x59: {  	_ =	shalt  }
0x5a: {  	_ =	shalt  }
0x5b: {  	_ =	shalt  }
0x5c: {  	_ =	shalt  }
0x5d: {  	_ =	shalt  }
0x5e: {  	_ =	shalt  }
0x5f: {  	_ =	shalt  }
0x60: {  	_ =	shalt  }
0x61: {  	_ =	shalt  }
0x62: {  	_ =	shalt  }
0x63: {  	_ =	shalt  }
0x64: {  	_ =	shalt  }
0x65: {  	_ =	shalt  }
0x66: {  	_ =	shalt  }
0x67: {  	_ =	shalt  }
0x68: {  	_ =	shalt  }
0x69: {  	_ =	shalt  }
0x6a: {  	_ =	shalt  }
0x6b: {  	_ =	shalt  }
0x6c: {  	_ =	shalt  }
0x6d: {  	_ =	shalt  }
0x6e: {  	_ =	shalt  }
0x6f: {  	_ =	shalt  }
0x70: {  	_ =	shalt  }
0x71: {  	_ =	shalt  }
0x72: {  	_ =	shalt  }
0x73: {  	_ =	shalt  }
0x74: {  	_ =	shalt  }
0x75: {  	_ =	shalt  }
0x76: {  	_ =	shalt  }
0x77: {  	_ =	shalt  }
0x78: {  	_ =	shalt  }
0x79: {  	_ =	shalt  }
0x7a: {  	_ =	shalt  }
0x7b: {  	_ =	shalt  }
0x7c: {  	_ =	shalt  }
0x7d: {  	_ =	shalt  }
0x7e: {  	_ =	shalt  }
0x7f: {  	_ =	shalt  }
0x80: {  	_ =	shalt  }
0x81: {  	_ =	shalt  }
0x82: {  	_ =	shalt  }
0x83: {  	_ =	shalt  }
0x84: {  	_ =	shalt  }
0x85: {  	_ =	shalt  }
0x86: {  	_ =	shalt  }
0x87: {  	_ =	shalt  }
.Lfunc_end0:
.L_simem_size_0:
called_computation.1_lowered:
.L_overlay_start_0:
0x88: {  	s2 =	sld [smem:$0x3FD9]  }
0x89: {  	s3 =	sld [smem:$0x3FFE];
	_ =	sdelay $0x1  }
0x8a: {  	s1 =	srdreg.scid  }
0x8b: {  	s0 =	sand.u32 $0x1, s1  }
0x8c: {  	s17 =	sshll.u32 s0, $0xA;
	s2 =	sadd.s32 s3, s2  }
0x8d: {  	s2 =	sadd.s32 s2, s17  }
0x8e: {  	[smem:$0x3FC6] =	sst s2  }
0x8f: {  	_ = 	snop  }
0x90: {  	s2 =	sld [smem:$0x3FD0];
	(tm) =	ssettm $0x1  }
0x91: {  	s18 =	sld [smem:$0x3FFB];
	_ =	sdelay $0x3  }
0x92: {  	_ =	strace s18  }
0x93: {  	s3 =	sld [smem:$0x3FFC];
	_ =	sdelay $0x3  }
0x94: {  	_ =	strace s3  }
0x95: {  	s3 =	sld [smem:$0x3FFD];
	_ =	sdelay $0x3  }
0x96: {  	_ =	strace s3  }
0x97: {  	_ =	strace $0x8FFFFFFF  }
0x98: {  	s19 =	sld [smem:$0x3FDB];
	_ =	sdelay $0x1  }
0x99: {  	s4 =	simm.s32 $_scs_section_size  }
0x9a: {  	s5 =	simm.s32 $_size__tile_overlayer_lowered;
	s6 =	simm.s32 $_tile_overlayer_lowered  }
0x9b: {  	s22 =	simm.s32 $0x1BFF;
	s21 =	sshll.u32 s6, $0x1;
	s3 =	sadd.s32 s4, s19  }
0x9c: {  	s7 =	simm.s32 $0x0;
	s20 =	sshll.u32 s5, $0x1;
	s5 =	sadd.s32 s21, s3  }
0x9d: {  	[timem:s7], [sflag:s22] =	dma.local [hbm:s5], s20  }
0x9e: {  	_ =	swait.ge [sflag:s22], s20  }
0x9f: {  	s4 =	ssub.s32 $0x0, s20;
	[sflag:s22] =	ssyncset.done $0x0  }
0xa0: {  	[sflag:s22] =	ssyncadd.s32 s4;
	_ =	sdelay $0x1  }
0xa1: {  	s23 =	simm.s32 $0x1B8B  }
0xa2: {  	_ =	swait.ge [sflag:s23], $0x1  }
0xa3: {  	[sflag:s23] =	ssyncset.done $0x0  }
0xa4: {  	s25 =	simm.s32 $0x1B8E;
	s24 =	sld [smem:$0x3FFE];
	[sflag:s23] =	ssyncadd.s32 $0xFFFFFFFF  }
0xa5: {  	s26 =	simm.s32 $execute0_lowered;
	[smem:$0x3FD2] =	sst s25  }
0xa6: {  	s5 =	sshll.u32 s26, $0x1;
	_ =	strace $0x80000046;
	[dreg:$0x1] =	wrdreg $0xFFFFFFFF  }
0xa7: {  	s28 =	simm.s32 $_size_execute0_lowered;
	s3 =	sadd.s32 s3, s5;
	[dreg:$0x0] =	wrdreg $0x0  }
0xa8: {  	s5 =	sshll.u32 s28, $0x1;
	[dreg:$0x2] =	wrdreg s3  }
0xa9: {  	[dreg:$0x3] =	wrdreg s5  }
0xaa: {  	[dreg:$0x4] =	wrdreg $0xC0  }
0xab: {  	_ =	task [dreg:s7], $0x5FFFF  }
0xac: {  	[dreg:$0x1] =	wrdreg $0xFFFFFFFF  }
0xad: {  	[dreg:$0x0] =	wrdreg $0x60  }
0xae: {  	[dreg:$0x2] =	wrdreg s24  }
0xaf: {  	[dreg:$0x3] =	wrdreg s2  }
0xb0: {  	[dreg:$0x4] =	wrdreg $0x9  }
0xb1: {  	_ =	task.clear_ibuf [dreg:s7], $0x5FFFF;
	_ =	strace $0x90000046  }
0xb2: {  	s29 =	simm.s32 $0x9;
	_ =	strace $0x80000048  }
0xb3: {  	_ =	swait.ge [sflag:s29], $0x1  }
0xb4: {  	[sflag:s29] =	ssyncadd.s32 $0xFFFFFFFF  }
0xb5: {  	_ =	strace $0x90000048  }
0xb6: {  	_ =	sfence  }
0xb7: {  	s30 =	sld [smem:$0x0];
	_ =	sdelay $0x2  }
0xb8: {  	s31 =	sshll.u32 s1, $0xD;
	s1 =	sshrl.u32 s1, $0x2  }
0xb9: {  	s3 =	sand.u32 $0x4000, s31;
	s1 =	sadd.s32 s1, s30  }
0xba: {  	s0 =	sor.u32 s3, s0;
	s1 =	sshll.u32 s1, $0x11  }
0xbb: {  	s0 =	sor.u32 s1, s0  }
0xbc: {  	s0 =	sadd.s32 $0x8F2B, s0  }
0xbd: {  	[sflag:s0] =	ssyncadd.remote.s32 $0x1  }
0xbe: {  	_ =	sfence.sel $0xFFFF  }
0xbf: {  	[dreg:$0x0] =	wrdreg $0xFFFFFFFF;
	(pc) =	sbr.abs _section_cstart, $3  }
0xc0: {  	[dreg:$0x1] =	wrdreg $0xFFFFFFFF  }
0xc1: {  	_ =	task.clear_ibuf [dreg:s7], $0x2FFFF;
	_ =	strace $0x9FFFFFFF  }
0xc2: {  	(tm) =	ssettm $0x7FFFFFFF  }
0xc3: {  	_ =	shalt  }
tec
execute0_lowered:
.L_overlay_start_1:
0x0: {  	(tag) =	ssettag $0x1  }
0x1: {  	s0 =	rddreg [dreg:$0x0]  }
0x2: {  	s2 =	rddreg [dreg:$0x1];
	s1 =	srdreg.scid  }
0x3: {  	s8 =	stileid.u32;
	s3 =	simm.s32 $0x0;
	s29 =	simm.s32 $0xE600  }
0x4: {  	s31 =	simm.s32 $0x10000;
	s28 =	simm.s32 $0x0;
	s9 =	smul.u32 $0x320000, s8  }
0x5: {  	s1 =	sand.u32 $0x1, s1;
	s4 =	sshll.u32 s8, $0x8;
	s25 =	smul.u32 $0x64000, s8  }
0x6: {  	[smem:$0x7FF] =	sst s3;
	s5 =	sshll.u32 s1, $0x7;
	s10 =	smul.u32 $0x190000, s1  }
0x7: {  	s15 =	ssub.s32 $0x2, s1;
	s1 =	smul.u32 $0x32000, s1;
	s5 =	sor.u32 s5, s4  }
0x8: {  	_ =	strace $0x80000047;
	s7 =	sshrl.u32 s15, $0x1;
	s6 =	smul.u32 $0x19, s5  }
0x9: {  	s4 =	sadd.s32 $0xF42E00, s0;
	s5 =	smul.u32 $0x3200, s5;
	s14 =	ssub.s32 s15, s7  }
0xa: {  	s18 =	sadd.s32 s10, s9;
	s1 =	sadd.s32 s1, s25;
	s25 =	simm.s32 $0x4  }
0xb: {  	s19 =	sor.u32 $0xAE00, s18;
	s12 =	sor.u32 $0x9600, s18;
	s21 =	sor.u32 $0x7C00, s18  }
0xc: {  	s13 =	sor.u32 $0x6400, s18;
	s24 =	sor.u32 $0xFA00, s18;
	s15 =	sadd.s32 $0x11200, s18  }
0xd: {  	s30 =	sor.u32 $0x1900, s1;
	s14 =	smax.u32 s14, $0x1;
	s1 =	simm.s32 $0x11A00  }
0xe: {  	s0 =	sadd.s32 s6, s0;
	s20 =	sshrl.u32 s12, $0x3;
	[dreg:$0xa] =	wrdreg s30  }
0xf: {  	s5 =	sshrl.u32 s5, $0x3;
	s22 =	sshrl.u32 s21, $0x3;
	[dreg:$0x4] =	wrdreg s20  }
0x10: {  	s23 =	sshrl.u32 s13, $0x3;
	s26 =	sshrl.u32 s15, $0x3;
	[dreg:$0x5] =	wrdreg s22  }
0x11: {  	s15 =	simm.s32 $0x5;
	s21 =	simm.s32 $0x9800;
	[dreg:$0x6] =	wrdreg s23  }
0x12: {  	s0 =	sadd.s32 $0xA00, s0;
	s6 =	sadd.s32 s2, s5;
	[dreg:$0x8] =	wrdreg s26  }
0x13: {  	s23 =	simm.s32 $0xB200;
	s26 =	simm.s32 $0xCC00;
	s20 =	simm.s32 $0x2  }
0x14: {  	s22 =	simm.s32 $0x3;
	[dreg:$0xb] =	wrdreg s0;
	s16 =	sadd.s32 $0x300, s6  }
0x15: {  	s17 =	sadd.s32 $0x640, s6;
	s5 =	sadd.s32 $0x940, s6;
	s10 =	sadd.s32 $0x31380, s6  }
0x16: {  	s11 =	sadd.s32 $0x31680, s6;
	s12 =	sadd.s32 $0x319C0, s6;
	[dreg:$0xc] =	wrdreg s16  }
0x17: {  	s0 =	sor.u32 $0xE000, s18;
	s13 =	sadd.s32 $0x31CC0, s6;
	[dreg:$0xd] =	wrdreg s17  }
0x18: {  	s18 =	simm.s32 $0x68;
	[dreg:$0xe] =	wrdreg s5;
	s5 =	sshrl.u32 s19, $0x3  }
0x19: {  	s0 =	sshrl.u32 s0, $0x3;
	s16 =	simm.s32 $0x60;
	[dreg:$0x3] =	wrdreg s5  }
0x1a: {  	s17 =	simm.s32 $0x6400;
	s5 =	sshrl.u32 s24, $0x3;
	[dreg:$0x9] =	wrdreg s0  }
0x1b: {  	s19 =	simm.s32 $0x7E00;
	s24 =	simm.s32 $0x1;
	[dreg:$0x7] =	wrdreg s5  }
.LBB2_1:
0x1c: {  	s0 =	rddreg [dreg:$0xb]  }
0x1d: {  	[tilespmem:s3], [sflag:$0x5] =	stream.linear.gather [hbm4b:s0+s3], $0x6400, $0x38;
	[tilespmem:$0x13400] =	vst v63  }
0x1e: {  	_ =	swait.ge [sflag:s15], $0x6400  }
0x1f: {  	[sflag:s15] =	ssyncset.done $0x0  }
0x20: {  	[sflag:s15] =	ssyncadd.s32 $0xFFFF9C00  }
0x21: {  	[tilespmem:s17], [sflag:$0x1] =	stream.indirect.gather [hbm4b:s4+s16], $0x40, s3, s16, $0xb8;
	[tilespmem:$0x13400] =	vst v63  }
0x22: {  	_ = 	snop  }
0x23: {  	[tilespmem:s19], [sflag:$0x1] =	stream.indirect.gather [hbm4b:s4+s18], $0x40, s16, s18, $0xb8;
	[tilespmem:$0x13400] =	vst v63  }
0x24: {  	s8 =	simm.s32 $0xC8  }
0x25: {  	[tilespmem:s21], [sflag:$0x1] =	stream.indirect.gather [hbm4b:s4+s16], $0x40, s8, s16, $0xb8;
	[tilespmem:$0x13400] =	vst v63  }
0x26: {  	s9 =	simm.s32 $0x128  }
0x27: {  	[tilespmem:s23], [sflag:$0x1] =	stream.indirect.gather [hbm4b:s4+s18], $0x40, s9, s18, $0xb8;
	[tilespmem:$0x13400] =	vst v63  }
0x28: {  	_ =	swait.ge [sflag:s24], $0x1800  }
0x29: {  	[sflag:s24] =	ssyncset.done $0x0  }
0x2a: {  	[sflag:s24] =	ssyncadd.s32 $0xFFFFE800  }
0x2b: {  	_ =	swait.ge [sflag:s24], $0x1A00  }
0x2c: {  	[sflag:s24] =	ssyncset.done $0x0  }
0x2d: {  	[sflag:s24] =	ssyncadd.s32 $0xFFFFE600  }
0x2e: {  	_ =	swait.ge [sflag:s24], $0x1800  }
0x2f: {  	[sflag:s24] =	ssyncset.done $0x0  }
0x30: {  	[sflag:s24] =	ssyncadd.s32 $0xFFFFE800  }
0x31: {  	_ =	swait.ge [sflag:s24], $0x1A00  }
0x32: {  	[sflag:s24] =	ssyncset.done $0x0  }
0x33: {  	[sflag:s24] =	ssyncadd.s32 $0xFFFFE600  }
0x34: {  	[hbm4b:s6+s3] =	stream.linear.scatter [tilespmem:s17], [sflag:$0x3], $0x1800, $0x38;
	[tilespmem:$0x13400] =	vst v63  }
0x35: {  	s5 =	rddreg [dreg:$0xc]  }
0x36: {  	[hbm4b:s5+s3] =	stream.linear.scatter [tilespmem:s19], [sflag:$0x3], $0x1A00, $0x38;
	[tilespmem:$0x13400] =	vst v63  }
0x37: {  	s7 =	rddreg [dreg:$0xd]  }
0x38: {  	[hbm4b:s7+s3] =	stream.linear.scatter [tilespmem:s21], [sflag:$0x3], $0x1800, $0x38;
	[tilespmem:$0x13400] =	vst v63  }
0x39: {  	s8 =	rddreg [dreg:$0xe]  }
0x3a: {  	[hbm4b:s8+s3] =	stream.linear.scatter [tilespmem:s23], [sflag:$0x3], $0x1A00, $0x38;
	[tilespmem:$0x13400] =	vst v63  }
0x3b: {  	s9 =	simm.s32 $0x190  }
0x3c: {  	[tilespmem:s26], [sflag:$0x2] =	stream.indirect.gather [hbm4b:s4+s16], $0x40, s9, s16, $0xb8;
	[tilespmem:$0x13400] =	vst v63  }
0x3d: {  	s5 =	simm.s32 $0x1F0  }
0x3e: {  	[tilespmem:s29], [sflag:$0x2] =	stream.indirect.gather [hbm4b:s4+s18], $0x40, s5, s18, $0xb8;
	[tilespmem:$0x13400] =	vst v63  }
0x3f: {  	s7 =	simm.s32 $0x258  }
0x40: {  	[tilespmem:s31], [sflag:$0x2] =	stream.indirect.gather [hbm4b:s4+s16], $0x40, s7, s16, $0xb8;
	[tilespmem:$0x13400] =	vst v63  }
0x41: {  	s8 =	simm.s32 $0x2B8  }
0x42: {  	[tilespmem:s1], [sflag:$0x2] =	stream.indirect.gather [hbm4b:s4+s18], $0x40, s8, s18, $0xb8;
	[tilespmem:$0x13400] =	vst v63  }
0x43: {  	_ =	swait.ge [sflag:s20], $0x1800  }
0x44: {  	[sflag:s20] =	ssyncset.done $0x0  }
0x45: {  	[sflag:s20] =	ssyncadd.s32 $0xFFFFE800  }
0x46: {  	_ =	swait.ge [sflag:s20], $0x1A00  }
0x47: {  	[sflag:s20] =	ssyncset.done $0x0  }
0x48: {  	[sflag:s20] =	ssyncadd.s32 $0xFFFFE600  }
0x49: {  	_ =	swait.ge [sflag:s20], $0x1800  }
0x4a: {  	[sflag:s20] =	ssyncset.done $0x0  }
0x4b: {  	[sflag:s20] =	ssyncadd.s32 $0xFFFFE800  }
0x4c: {  	_ =	swait.ge [sflag:s20], $0x1A00  }
0x4d: {  	s9 =	rddreg [dreg:$0x6];
	[sflag:s20] =	ssyncset.done $0x0  }
0x4e: {  	s5 =	rddreg [dreg:$0x5];
	[sflag:s20] =	ssyncadd.s32 $0xFFFFE600;
	s0 =	sadd.s32 s2, s9  }
0x4f: {  	[hbm4b:s0+s3] =	stream.linear.scatter [tilespmem:s26], [sflag:$0x4], $0x1800, $0x38;
	[tilespmem:$0x13400] =	vst v63  }
0x50: {  	s30 =	rddreg [dreg:$0x4];
	s7 =	sadd.s32 s2, s5  }
0x51: {  	[hbm4b:s7+s3] =	stream.linear.scatter [tilespmem:s29], [sflag:$0x4], $0x1A00, $0x38;
	[tilespmem:$0x13400] =	vst v63  }
0x52: {  	s8 =	rddreg [dreg:$0x3];
	s9 =	sadd.s32 s2, s30  }
0x53: {  	[hbm4b:s9+s3] =	stream.linear.scatter [tilespmem:s31], [sflag:$0x4], $0x1800, $0x38;
	[tilespmem:$0x13400] =	vst v63  }
0x54: {  	s7 =	sadd.s32 s2, s8  }
0x55: {  	[hbm4b:s7+s3] =	stream.linear.scatter [tilespmem:s1], [sflag:$0x4], $0x1A00, $0x38;
	[tilespmem:$0x13400] =	vst v63  }
0x56: {  	_ =	swait.ge [sflag:s22], $0x1800  }
0x57: {  	[sflag:s22] =	ssyncset.done $0x0  }
0x58: {  	[sflag:s22] =	ssyncadd.s32 $0xFFFFE800  }
0x59: {  	_ =	swait.ge [sflag:s22], $0x1A00  }
0x5a: {  	[sflag:s22] =	ssyncset.done $0x0  }
0x5b: {  	[sflag:s22] =	ssyncadd.s32 $0xFFFFE600  }
0x5c: {  	_ =	swait.ge [sflag:s22], $0x1800  }
0x5d: {  	[sflag:s22] =	ssyncset.done $0x0  }
0x5e: {  	[sflag:s22] =	ssyncadd.s32 $0xFFFFE800  }
0x5f: {  	_ =	swait.ge [sflag:s22], $0x1A00  }
0x60: {  	[sflag:s22] =	ssyncset.done $0x0  }
0x61: {  	s8 =	simm.s32 $0x320;
	[sflag:s22] =	ssyncadd.s32 $0xFFFFE600  }
0x62: {  	[tilespmem:s17], [sflag:$0x1] =	stream.indirect.gather [hbm4b:s4+s16], $0x40, s8, s16, $0xb8;
	[tilespmem:$0x13400] =	vst v63  }
0x63: {  	s9 =	simm.s32 $0x380  }
0x64: {  	[tilespmem:s19], [sflag:$0x1] =	stream.indirect.gather [hbm4b:s4+s18], $0x40, s9, s18, $0xb8;
	[tilespmem:$0x13400] =	vst v63  }
0x65: {  	s5 =	simm.s32 $0x3E8  }
0x66: {  	[tilespmem:s21], [sflag:$0x1] =	stream.indirect.gather [hbm4b:s4+s16], $0x40, s5, s16, $0xb8;
	[tilespmem:$0x13400] =	vst v63  }
0x67: {  	s7 =	simm.s32 $0x448  }
0x68: {  	[tilespmem:s23], [sflag:$0x1] =	stream.indirect.gather [hbm4b:s4+s18], $0x40, s7, s18, $0xb8;
	[tilespmem:$0x13400] =	vst v63  }
0x69: {  	_ =	swait.ge [sflag:s24], $0x1800  }
0x6a: {  	[sflag:s24] =	ssyncset.done $0x0  }
0x6b: {  	[sflag:s24] =	ssyncadd.s32 $0xFFFFE800  }
0x6c: {  	_ =	swait.ge [sflag:s24], $0x1A00  }
0x6d: {  	[sflag:s24] =	ssyncset.done $0x0  }
0x6e: {  	[sflag:s24] =	ssyncadd.s32 $0xFFFFE600  }
0x6f: {  	_ =	swait.ge [sflag:s24], $0x1800  }
0x70: {  	[sflag:s24] =	ssyncset.done $0x0  }
0x71: {  	[sflag:s24] =	ssyncadd.s32 $0xFFFFE800  }
0x72: {  	_ =	swait.ge [sflag:s24], $0x1A00  }
0x73: {  	s8 =	rddreg [dreg:$0xa];
	[sflag:s24] =	ssyncset.done $0x0  }
0x74: {  	s9 =	rddreg [dreg:$0x9];
	[sflag:s24] =	ssyncadd.s32 $0xFFFFE600;
	s0 =	sadd.s32 s2, s8  }
0x75: {  	[hbm4b:s0+s3] =	stream.linear.scatter [tilespmem:s17], [sflag:$0x3], $0x1800, $0x38;
	[tilespmem:$0x13400] =	vst v63  }
0x76: {  	s30 =	rddreg [dreg:$0x7];
	s7 =	sadd.s32 s2, s9  }
0x77: {  	[hbm4b:s7+s3] =	stream.linear.scatter [tilespmem:s19], [sflag:$0x3], $0x1A00, $0x38;
	[tilespmem:$0x13400] =	vst v63  }
0x78: {  	s8 =	rddreg [dreg:$0x8];
	s9 =	sadd.s32 s2, s30  }
0x79: {  	[hbm4b:s9+s3] =	stream.linear.scatter [tilespmem:s21], [sflag:$0x3], $0x1800, $0x38;
	[tilespmem:$0x13400] =	vst v63  }
0x7a: {  	s5 =	sadd.s32 s2, s8  }
0x7b: {  	[hbm4b:s5+s3] =	stream.linear.scatter [tilespmem:s23], [sflag:$0x3], $0x1A00, $0x38;
	[tilespmem:$0x13400] =	vst v63  }
0x7c: {  	_ =	swait.ge [sflag:s25], $0x1800  }
0x7d: {  	[sflag:s25] =	ssyncset.done $0x0  }
0x7e: {  	[sflag:s25] =	ssyncadd.s32 $0xFFFFE800  }
0x7f: {  	_ =	swait.ge [sflag:s25], $0x1A00  }
0x80: {  	[sflag:s25] =	ssyncset.done $0x0  }
0x81: {  	[sflag:s25] =	ssyncadd.s32 $0xFFFFE600  }
0x82: {  	_ =	swait.ge [sflag:s25], $0x1800  }
0x83: {  	[sflag:s25] =	ssyncset.done $0x0  }
0x84: {  	[sflag:s25] =	ssyncadd.s32 $0xFFFFE800  }
0x85: {  	_ =	swait.ge [sflag:s25], $0x1A00  }
0x86: {  	[sflag:s25] =	ssyncset.done $0x0  }
0x87: {  	s7 =	simm.s32 $0x4B0;
	[sflag:s25] =	ssyncadd.s32 $0xFFFFE600  }
0x88: {  	[tilespmem:s26], [sflag:$0x2] =	stream.indirect.gather [hbm4b:s4+s16], $0x40, s7, s16, $0xb8;
	[tilespmem:$0x13400] =	vst v63  }
0x89: {  	s30 =	simm.s32 $0xC80;
	s8 =	simm.s32 $0x510  }
0x8a: {  	[tilespmem:s29], [sflag:$0x2] =	stream.indirect.gather [hbm4b:s4+s18], $0x40, s8, s18, $0xb8;
	[tilespmem:$0x13400] =	vst v63  }
0x8b: {  	s0 =	sadd.s32 $0x1900, s2;
	s9 =	simm.s32 $0x578;
	s5 =	simm.s32 $0x5D8  }
0x8c: {  	[tilespmem:s31], [sflag:$0x2] =	stream.indirect.gather [hbm4b:s4+s16], $0x40, s9, s16, $0xb8;
	[tilespmem:$0x13400] =	vst v63  }
.LBB2_2:
0x8d: {  	[tilespmem:s1], [sflag:$0x2] =	stream.indirect.gather [hbm4b:s4+s18], $0x40, s5, s18, $0xb8;
	[tilespmem:$0x13400] =	vst v63  }
0x8e: {  	_ =	swait.ge [sflag:s20], $0x1800  }
0x8f: {  	[sflag:s20] =	ssyncset.done $0x0  }
0x90: {  	[sflag:s20] =	ssyncadd.s32 $0xFFFFE800  }
0x91: {  	_ =	swait.ge [sflag:s20], $0x1A00  }
0x92: {  	[sflag:s20] =	ssyncset.done $0x0  }
0x93: {  	[sflag:s20] =	ssyncadd.s32 $0xFFFFE600  }
0x94: {  	_ =	swait.ge [sflag:s20], $0x1800  }
0x95: {  	[sflag:s20] =	ssyncset.done $0x0  }
0x96: {  	[sflag:s20] =	ssyncadd.s32 $0xFFFFE800  }
0x97: {  	_ =	swait.ge [sflag:s20], $0x1A00  }
0x98: {  	s7 =	rddreg [dreg:$0x6];
	[sflag:s20] =	ssyncset.done $0x0  }
0x99: {  	s8 =	rddreg [dreg:$0x5];
	[sflag:s20] =	ssyncadd.s32 $0xFFFFE600;
	s7 =	sadd.s32 s0, s7  }
0x9a: {  	[hbm4b:s7+s3] =	stream.linear.scatter [tilespmem:s26], [sflag:$0x4], $0x1800, $0x38;
	[tilespmem:$0x13400] =	vst v63  }
0x9b: {  	s9 =	rddreg [dreg:$0x4];
	s7 =	sadd.s32 s0, s8  }
0x9c: {  	[hbm4b:s7+s3] =	stream.linear.scatter [tilespmem:s29], [sflag:$0x4], $0x1A00, $0x38;
	[tilespmem:$0x13400] =	vst v63  }
0x9d: {  	s9 =	sadd.s32 s0, s9;
	s8 =	rddreg [dreg:$0x3]  }
0x9e: {  	[hbm4b:s9+s3] =	stream.linear.scatter [tilespmem:s31], [sflag:$0x4], $0x1800, $0x38;
	[tilespmem:$0x13400] =	vst v63  }
0x9f: {  	s8 =	sadd.s32 s0, s8  }
0xa0: {  	[hbm4b:s8+s3] =	stream.linear.scatter [tilespmem:s1], [sflag:$0x4], $0x1A00, $0x38;
	[tilespmem:$0x13400] =	vst v63  }
0xa1: {  	_ =	swait.ge [sflag:s22], $0x1800  }
0xa2: {  	[sflag:s22] =	ssyncset.done $0x0  }
0xa3: {  	[sflag:s22] =	ssyncadd.s32 $0xFFFFE800  }
0xa4: {  	_ =	swait.ge [sflag:s22], $0x1A00  }
0xa5: {  	[sflag:s22] =	ssyncset.done $0x0  }
0xa6: {  	[sflag:s22] =	ssyncadd.s32 $0xFFFFE600  }
0xa7: {  	_ =	swait.ge [sflag:s22], $0x1800  }
0xa8: {  	[sflag:s22] =	ssyncset.done $0x0  }
0xa9: {  	[sflag:s22] =	ssyncadd.s32 $0xFFFFE800  }
0xaa: {  	s5 =	smov.u32 s30;
	_ =	swait.ge [sflag:s22], $0x1A00  }
0xab: {  	s5 =	sshra.s32 s5, $0x2;
	[sflag:s22] =	ssyncset.done $0x0  }
0xac: {  	s9 =	sadd.s32 $0x320, s5;
	[sflag:s22] =	ssyncadd.s32 $0xFFFFE600  }
0xad: {  	[tilespmem:s17], [sflag:$0x1] =	stream.indirect.gather [hbm4b:s4+s16], $0x40, s9, s16, $0xb8;
	[tilespmem:$0x13400] =	vst v63  }
0xae: {  	s8 =	sadd.s32 $0x380, s5  }
0xaf: {  	[tilespmem:s19], [sflag:$0x1] =	stream.indirect.gather [hbm4b:s4+s18], $0x40, s8, s18, $0xb8;
	[tilespmem:$0x13400] =	vst v63  }
0xb0: {  	s9 =	sadd.s32 $0x3E8, s5  }
0xb1: {  	[tilespmem:s21], [sflag:$0x1] =	stream.indirect.gather [hbm4b:s4+s16], $0x40, s9, s16, $0xb8;
	[tilespmem:$0x13400] =	vst v63  }
0xb2: {  	s8 =	sadd.s32 $0x448, s5  }
0xb3: {  	[tilespmem:s23], [sflag:$0x1] =	stream.indirect.gather [hbm4b:s4+s18], $0x40, s8, s18, $0xb8;
	[tilespmem:$0x13400] =	vst v63  }
0xb4: {  	_ =	swait.ge [sflag:s24], $0x1800  }
0xb5: {  	[sflag:s24] =	ssyncset.done $0x0  }
0xb6: {  	[sflag:s24] =	ssyncadd.s32 $0xFFFFE800  }
0xb7: {  	_ =	swait.ge [sflag:s24], $0x1A00  }
0xb8: {  	[sflag:s24] =	ssyncset.done $0x0  }
0xb9: {  	[sflag:s24] =	ssyncadd.s32 $0xFFFFE600  }
0xba: {  	_ =	swait.ge [sflag:s24], $0x1800  }
0xbb: {  	[sflag:s24] =	ssyncset.done $0x0  }
0xbc: {  	[sflag:s24] =	ssyncadd.s32 $0xFFFFE800  }
0xbd: {  	_ =	swait.ge [sflag:s24], $0x1A00  }
0xbe: {  	s9 =	rddreg [dreg:$0xa];
	[sflag:s24] =	ssyncset.done $0x0  }
0xbf: {  	s8 =	rddreg [dreg:$0x9];
	[sflag:s24] =	ssyncadd.s32 $0xFFFFE600;
	s7 =	sadd.s32 s0, s9  }
0xc0: {  	[hbm4b:s7+s3] =	stream.linear.scatter [tilespmem:s17], [sflag:$0x3], $0x1800, $0x38;
	[tilespmem:$0x13400] =	vst v63  }
0xc1: {  	s9 =	rddreg [dreg:$0x7];
	s7 =	sadd.s32 s0, s8  }
0xc2: {  	[hbm4b:s7+s3] =	stream.linear.scatter [tilespmem:s19], [sflag:$0x3], $0x1A00, $0x38;
	[tilespmem:$0x13400] =	vst v63  }
0xc3: {  	s8 =	rddreg [dreg:$0x8];
	s9 =	sadd.s32 s0, s9  }
0xc4: {  	[hbm4b:s9+s3] =	stream.linear.scatter [tilespmem:s21], [sflag:$0x3], $0x1800, $0x38;
	[tilespmem:$0x13400] =	vst v63  }
0xc5: {  	s8 =	sadd.s32 s0, s8  }
0xc6: {  	[hbm4b:s8+s3] =	stream.linear.scatter [tilespmem:s23], [sflag:$0x3], $0x1A00, $0x38;
	[tilespmem:$0x13400] =	vst v63  }
0xc7: {  	_ =	swait.ge [sflag:s25], $0x1800  }
0xc8: {  	[sflag:s25] =	ssyncset.done $0x0  }
0xc9: {  	[sflag:s25] =	ssyncadd.s32 $0xFFFFE800  }
0xca: {  	_ =	swait.ge [sflag:s25], $0x1A00  }
0xcb: {  	[sflag:s25] =	ssyncset.done $0x0  }
0xcc: {  	[sflag:s25] =	ssyncadd.s32 $0xFFFFE600  }
0xcd: {  	_ =	swait.ge [sflag:s25], $0x1800  }
0xce: {  	[sflag:s25] =	ssyncset.done $0x0  }
0xcf: {  	[sflag:s25] =	ssyncadd.s32 $0xFFFFE800  }
0xd0: {  	_ =	swait.ge [sflag:s25], $0x1A00  }
0xd1: {  	[sflag:s25] =	ssyncset.done $0x0  }
0xd2: {  	p0 =	sne.s32 s30, $0x17700;
	s9 =	sadd.s32 $0x4B0, s5;
	[sflag:s25] =	ssyncadd.s32 $0xFFFFE600  }
0xd3: {  	[tilespmem:s26], [sflag:$0x2] =	stream.indirect.gather [hbm4b:s4+s16], $0x40, s9, s16, $0xb8;
	[tilespmem:$0x13400] =	vst v63  }
.Ltmp0:
0xd4: {  	_ = 	snop;
	(pc) =	sbr.rel @p0 .LBB2_2-.Ltmp0, $4  }
0xd5: {  	s30 =	sadd.s32 $0xC80, s30;
	s8 =	sadd.s32 $0x510, s5  }
0xd6: {  	[tilespmem:s29], [sflag:$0x2] =	stream.indirect.gather [hbm4b:s4+s18], $0x40, s8, s18, $0xb8;
	[tilespmem:$0x13400] =	vst v63  }
0xd7: {  	s0 =	sadd.s32 $0x1900, s0;
	s9 =	sadd.s32 $0x578, s5;
	s5 =	sadd.s32 $0x5D8, s5  }
0xd8: {  	[tilespmem:s31], [sflag:$0x2] =	stream.indirect.gather [hbm4b:s4+s16], $0x40, s9, s16, $0xb8;
	[tilespmem:$0x13400] =	vst v63  }
0xd9: {  	[tilespmem:s1], [sflag:$0x2] =	stream.indirect.gather [hbm4b:s4+s18], $0x40, s5, s18, $0xb8;
	[tilespmem:$0x13400] =	vst v63  }
0xda: {  	_ =	swait.ge [sflag:s20], $0x1800  }
0xdb: {  	[sflag:s20] =	ssyncset.done $0x0  }
0xdc: {  	[sflag:s20] =	ssyncadd.s32 $0xFFFFE800  }
0xdd: {  	_ =	swait.ge [sflag:s20], $0x1A00  }
0xde: {  	[sflag:s20] =	ssyncset.done $0x0  }
0xdf: {  	[sflag:s20] =	ssyncadd.s32 $0xFFFFE600  }
0xe0: {  	_ =	swait.ge [sflag:s20], $0x1800  }
0xe1: {  	[sflag:s20] =	ssyncset.done $0x0  }
0xe2: {  	[sflag:s20] =	ssyncadd.s32 $0xFFFFE800  }
0xe3: {  	_ =	swait.ge [sflag:s20], $0x1A00  }
0xe4: {  	[sflag:s20] =	ssyncset.done $0x0  }
0xe5: {  	[sflag:s20] =	ssyncadd.s32 $0xFFFFE600  }
0xe6: {  	[hbm4b:s10+s3] =	stream.linear.scatter [tilespmem:s26], [sflag:$0x4], $0x1800, $0x38;
	[tilespmem:$0x13400] =	vst v63  }
0xe7: {  	_ = 	snop  }
0xe8: {  	[hbm4b:s11+s3] =	stream.linear.scatter [tilespmem:s29], [sflag:$0x4], $0x1A00, $0x38;
	[tilespmem:$0x13400] =	vst v63  }
0xe9: {  	_ = 	snop  }
0xea: {  	[hbm4b:s12+s3] =	stream.linear.scatter [tilespmem:s31], [sflag:$0x4], $0x1800, $0x38;
	[tilespmem:$0x13400] =	vst v63  }
0xeb: {  	_ = 	snop  }
0xec: {  	[hbm4b:s13+s3] =	stream.linear.scatter [tilespmem:s1], [sflag:$0x4], $0x1A00, $0x38;
	[tilespmem:$0x13400] =	vst v63  }
0xed: {  	_ =	swait.ge [sflag:s22], $0x1800  }
0xee: {  	[sflag:s22] =	ssyncset.done $0x0  }
0xef: {  	[sflag:s22] =	ssyncadd.s32 $0xFFFFE800  }
0xf0: {  	_ =	swait.ge [sflag:s22], $0x1A00  }
0xf1: {  	[sflag:s22] =	ssyncset.done $0x0  }
0xf2: {  	[sflag:s22] =	ssyncadd.s32 $0xFFFFE600  }
0xf3: {  	_ =	swait.ge [sflag:s22], $0x1800  }
0xf4: {  	[sflag:s22] =	ssyncset.done $0x0  }
0xf5: {  	[sflag:s22] =	ssyncadd.s32 $0xFFFFE800  }
0xf6: {  	_ =	swait.ge [sflag:s22], $0x1A00  }
0xf7: {  	[sflag:s22] =	ssyncset.done $0x0  }
0xf8: {  	[sflag:s22] =	ssyncadd.s32 $0xFFFFE600  }
0xf9: {  	_ =	swait.ge [sflag:s25], $0x1800  }
0xfa: {  	[sflag:s25] =	ssyncset.done $0x0  }
0xfb: {  	[sflag:s25] =	ssyncadd.s32 $0xFFFFE800  }
0xfc: {  	_ =	swait.ge [sflag:s25], $0x1A00  }
0xfd: {  	[sflag:s25] =	ssyncset.done $0x0  }
0xfe: {  	s28 =	sadd.s32 $0x1, s28;
	[sflag:s25] =	ssyncadd.s32 $0xFFFFE600  }
0xff: {  	p0 =	sne.s32 s28, s14;
	_ =	swait.ge [sflag:s25], $0x1800  }
.Ltmp1:
0x100: {  	[sflag:s25] =	ssyncset.done $0x0;
	(pc) =	sbr.rel @p0 .LBB2_1-.Ltmp1, $4  }
0x101: {  	[sflag:s25] =	ssyncadd.s32 $0xFFFFE800  }
0x102: {  	_ =	swait.ge [sflag:s25], $0x1A00  }
0x103: {  	[sflag:s25] =	ssyncset.done $0x0  }
0x104: {  	[sflag:s25] =	ssyncadd.s32 $0xFFFFE600  }
0x105: {  	_ =	sfence.sel $0x180000  }
0x106: {  	[bflag:$0x0] =	sbarrier.arrive $0xFFFF  }
0x107: {  	_ =	strace $0x90000047  }
0x108: {  	s0 =	stileid.u32;
	[bflag:$0x2] =	sbarrier.arrive $0xFFFF  }
0x109: {  	p0 =	sne.s32 s0, $0x0;
	s0 =	rddreg [dreg:$0x2]  }
0x10a: {  	s0 =	sadd.s32 @!p0 $0x100000, s0  }
0x10b: {  	[sflag:s0] =	ssyncadd.tile.s32 @!p0 $0x1;
	_ =	shalt  }
.Lfunc_end2:
_tile_overlayer_lowered:
.L_overlay_start_2:
0x10c: {  	(tag) =	ssettag $0x2  }
0x10d: {  	s0 =	rddreg [dreg:$0x0];
	s2 =	stileid.u32  }
0x10e: {  	s1 =	rddreg [dreg:$0x1];
	p0 =	sne.s32 s2, $0x0  }
0x10f: {  	s3 =	rddreg [dreg:$0x2];
	[bflag:$0x3] =	sbarrier.arrive $0xFFFF;
	s2 =	simm.s32 @!p0 $0x1C05  }
0x110: {  	[timem:s3], [sflag:s2] =	dma.local @!p0 [hbm:s0], s1  }
0x111: {  	s0 =	simm.s32 @!p0 $0x5  }
0x112: {  	_ =	swait.ge @!p0 [sflag:s0], s1  }
0x113: {  	s1 =	ssub.s32 @!p0 $0x0, s1;
	[sflag:s0] =	ssyncset.done @!p0 $0x0  }
0x114: {  	[sflag:s0] =	ssyncadd.s32 @!p0 s1  }
0x115: {  	[bflag:$0x3] =	sbarrier.arrive $0xFFFF  }
0x116: {  	_ =	shalt  }

// kernel: sparse-core-data-format-call.cloned.1.call-start
scs
called_computation_lowered:
.L_overlay_start_0:
0x0: {  	s2 =	sld [smem:$0x3FD9]  }
0x1: {  	s3 =	sld [smem:$0x3FFE];
	_ =	sdelay $0x1  }
0x2: {  	s1 =	srdreg.scid  }
0x3: {  	s0 =	sand.u32 $0x1, s1  }
0x4: {  	s18 =	sshll.u32 s0, $0xA;
	s2 =	sadd.s32 s3, s2  }
0x5: {  	s2 =	sadd.s32 s2, s18  }
0x6: {  	[smem:$0x3FC6] =	sst s2  }
0x7: {  	_ = 	snop  }
0x8: {  	s2 =	sld [smem:$0x3FD0];
	(tm) =	ssettm $0x1  }
0x9: {  	s19 =	sld [smem:$0x3FFB];
	_ =	sdelay $0x3  }
0xa: {  	_ =	strace s19  }
0xb: {  	s3 =	sld [smem:$0x3FFC];
	_ =	sdelay $0x3  }
0xc: {  	_ =	strace s3  }
0xd: {  	s3 =	sld [smem:$0x3FFD];
	_ =	sdelay $0x3  }
0xe: {  	_ =	strace s3  }
0xf: {  	_ =	strace $0x8FFFFFFF  }
0x10: {  	s20 =	sld [smem:$0x3FDB];
	_ =	sdelay $0x1  }
0x11: {  	s4 =	simm.s32 $_scs_section_size  }
0x12: {  	s5 =	simm.s32 $_size__tile_overlayer_lowered;
	s6 =	simm.s32 $_tile_overlayer_lowered  }
0x13: {  	s23 =	simm.s32 $0x1BFF;
	s22 =	sshll.u32 s6, $0x1;
	s3 =	sadd.s32 s4, s20  }
0x14: {  	s7 =	simm.s32 $0x0;
	s21 =	sshll.u32 s5, $0x1;
	s5 =	sadd.s32 s22, s3  }
0x15: {  	[timem:s7], [sflag:s23] =	dma.local [hbm:s5], s21  }
0x16: {  	_ =	swait.ge [sflag:s23], s21  }
0x17: {  	s4 =	ssub.s32 $0x0, s21;
	[sflag:s23] =	ssyncset.done $0x0  }
0x18: {  	[sflag:s23] =	ssyncadd.s32 s4;
	_ =	sdelay $0x1  }
0x19: {  	s24 =	simm.s32 $0x1B8B  }
0x1a: {  	_ =	swait.ge [sflag:s24], $0x1  }
0x1b: {  	[sflag:s24] =	ssyncset.done $0x0  }
0x1c: {  	s26 =	simm.s32 $0x1B8E;
	s25 =	sld [smem:$0x3FFE];
	[sflag:s24] =	ssyncadd.s32 $0xFFFFFFFF  }
0x1d: {  	s27 =	simm.s32 $execute0_lowered;
	[smem:$0x3FD2] =	sst s26  }
0x1e: {  	s5 =	sshll.u32 s27, $0x1;
	_ =	strace $0x80000049;
	[dreg:$0x1] =	wrdreg $0xFFFFFFFF  }
0x1f: {  	s28 =	simm.s32 $_size_execute0_lowered;
	s3 =	sadd.s32 s3, s5;
	[dreg:$0x0] =	wrdreg $0x0  }
0x20: {  	s5 =	sshll.u32 s28, $0x1;
	[dreg:$0x2] =	wrdreg s3  }
0x21: {  	[dreg:$0x3] =	wrdreg s5  }
0x22: {  	[dreg:$0x4] =	wrdreg $0xC0  }
0x23: {  	_ =	task [dreg:s7], $0x5FFFF  }
0x24: {  	[dreg:$0x1] =	wrdreg $0xFFFFFFFF  }
0x25: {  	[dreg:$0x0] =	wrdreg $0x60  }
0x26: {  	[dreg:$0x2] =	wrdreg s25  }
0x27: {  	[dreg:$0x3] =	wrdreg s2  }
0x28: {  	[dreg:$0x4] =	wrdreg $0x9  }
0x29: {  	_ =	task.clear_ibuf [dreg:s7], $0x5FFFF;
	_ =	strace $0x90000049  }
0x2a: {  	s29 =	simm.s32 $0x9;
	_ =	strace $0x8000004B  }
0x2b: {  	_ =	swait.ge [sflag:s29], $0x1  }
0x2c: {  	[sflag:s29] =	ssyncadd.s32 $0xFFFFFFFF  }
0x2d: {  	_ =	strace $0x9000004B  }
0x2e: {  	_ =	sfence  }
0x2f: {  	s30 =	sld [smem:$0x0];
	_ =	sdelay $0x2  }
0x30: {  	s31 =	sshll.u32 s1, $0xD;
	s1 =	sshrl.u32 s1, $0x2  }
0x31: {  	s3 =	sand.u32 $0x4000, s31;
	s1 =	sadd.s32 s1, s30  }
0x32: {  	s0 =	sor.u32 s3, s0;
	s1 =	sshll.u32 s1, $0x11  }
0x33: {  	s0 =	sor.u32 s1, s0  }
0x34: {  	s0 =	sadd.s32 $0x8F2B, s0  }
0x35: {  	[sflag:s0] =	ssyncadd.remote.s32 $0x1  }
0x36: {  	_ =	sfence.sel $0xFFFF  }
0x37: {  	[dreg:$0x0] =	wrdreg $0xFFFFFFFF;
	(pc) =	sbr.abs _section_cstart, $3  }
0x38: {  	[dreg:$0x1] =	wrdreg $0xFFFFFFFF  }
0x39: {  	_ =	task.clear_ibuf [dreg:s7], $0x2FFFF;
	_ =	strace $0x9FFFFFFF  }
0x3a: {  	(tm) =	ssettm $0x7FFFFFFF  }
0x3b: {  	_ =	shalt  }
tec
execute0_lowered:
.L_overlay_start_1:
0x0: {  	(tag) =	ssettag $0x1  }
0x1: {  	s0 =	srdreg.scid  }
0x2: {  	s1 =	sshll.u32 s0, $0x4  }
0x3: {  	s0 =	stileid.u32;
	s1 =	sand.u32 $0x10, s1  }
0x4: {  	s1 =	sor.u32 s0, s1  }
0x5: {  	s6 =	rddreg [dreg:$0x0];
	s4 =	simm.s32 $0x1;
	s2 =	sshll.u32 s1, $0x7  }
0x6: {  	s7 =	simm.s32 $0x2;
	s12 =	simm.s32 $0x0;
	s1 =	ssub.s32 $0x1000, s2  }
0x7: {  	s8 =	simm.s32 $0x8000;
	s13 =	simm.s32 $0x0;
	s3 =	sand.u32 $0xF80, s1  }
0x8: {  	s9 =	simm.s32 $0x0;
	s5 =	sshrl.u32 s1, $0xC;
	p0 =	sne.s32 s3, $0x0  }
.Ltmp0:
0x9: {  	s1 =	rddreg [dreg:$0x2];
	s4 =	simm.s32 @!p0 $0x0;
	(pc) =	sbr.rel .LBB1_1-.Ltmp0, $4  }
0xa: {  	s11 =	simm.s32 $0x0;
	s3 =	rddreg [dreg:$0x1];
	s5 =	sadd.s32 s4, s5  }
0xb: {  	_ =	strace $0x8000004A;
	s4 =	simm.s32 $0x1;
	s5 =	smul.u32 $0xC8, s5  }
0xc: {  	s6 =	sadd.s32 $0xA00, s6;
	s10 =	smov.u32 s2;
	[sflag:s4] =	ssyncpa.u1 $0x0  }
0xd: {  	p0 =	por $0x0, $0x0;
	[sflag:s7] =	ssyncpa.u1 $0x0;
	s7 =	sor.u32 $0x1, s5  }
.LBB1_4:
0xe: {  	s16 =	sshll.u32 s13, $0x3;
	s17 =	sand.u32 $0x78, s13  }
0xf: {  	s30 =	sand.u32 $0x7E00, s13;
	s12 =	sshll.u32 s12, $0xF;
	s16 =	sand.u32 $0xC00, s16  }
0x10: {  	[tilespmem:s15+$0x810 ss:$0x81] =	vst.msk $0xffff, v2;
	s31 =	sand.u32 $0x7, s13;
	s16 =	sor.u32 s17, s16;
	s17 =	sadd.s32 s3, s30  }
0x11: {  	[tilespmem:s15+$0x1020 ss:$0x81] =	vst.msk $0xffff, v0;
	s13 =	sshll.u32 s31, $0x12;
	s12 =	sadd.s32 s12, s17;
	s16 =	sshrl.u32 s16, $0x3  }
0x12: {  	[tilespmem:s15+$0x0 ss:$0x81] =	vst.msk $0xffff, v1;
	s13 =	sor.u32 $0x400, s13;
	s12 =	sadd.s32 s16, s12  }
0x13: {  	[hbm4b:s12+s13] =	stream.strided.scatter [tilespmem:s14], [sflag:$0x2], $0x2000, s8, s13, $0x20;
	[tilespmem:$0x8080] =	vst v63  }
.LBB1_5:
0x14: {  	s14 =	sadd.s32 $0x1, s9  }
0x15: {  	s12 =	sadd.s32 $0x1000, s10;
	s16 =	smov.u32 s10;
	p2 =	sgt.s32 s14, $0xC7  }
0x16: {  	s16 =	smov.u32 @p2 s12  }
0x17: {  	s14 =	simm.s32 @p2 $0x0;
	p2 =	sgt.s32 s16, $0xFFF  }
0x18: {  	s16 =	smov.u32 @p2 s2;
	p2 =	sne.s32 s11, s7  }
.Ltmp1:
0x19: {  	p1 =	slt.u32 s11, $0x2;
	(pc) =	sbr.rel @!p2 .LBB1_6-.Ltmp1, $4  }
0x1a: {  	s15 =	simm.s32 @!p1 $0x2  }
0x1b: {  	s13 =	smov.u32 s10;
	p0 =	por !p0, !p0;
	_ =	swait.ge @!p1 [sflag:s15], $0x2000  }
0x1c: {  	s12 =	smov.u32 s9;
	[sflag:s15] =	ssyncset.done @!p1 $0x0;
	s9 =	smov.u32 s14  }
0x1d: {  	s11 =	sadd.s32 $0x1, s11;
	[sflag:s15] =	ssyncadd.s32 @!p1 $0xFFFFE000;
	s10 =	smov.u32 s16  }
.LBB1_1:
0x1e: {  	p1 =	sge.u32 s11, s5  }
0x1f: {  	s14 =	sand.u32 @!p1 $0x1FFFFFF, s9  }
0x20: {  	s15 =	smulhi.u32 @!p1 $0x147AE15, s14;
	_ =	sdelay $0x1  }
0x21: {  	s15 =	smul.u32 @!p1 $0xC8, s15  }
0x22: {  	s16 =	sxor.u32 @!p1 $0xFFFFFFFF, s11;
	s17 =	smul.u32 @!p1 $0xC80, s10  }
0x23: {  	s31 =	sadd.s32 $0xFFFFFFFF, s11;
	s16 =	sshll.u32 @!p1 s16, $0xD;
	s14 =	ssub.s32 @!p1 s14, s15  }
0x24: {  	s15 =	sand.u32 @!p1 $0x2000, s16;
	s16 =	sadd.s32 @!p1 s6, s17;
	s14 =	sshll.u32 @!p1 s14, $0x4  }
0x25: {  	s17 =	simm.s32 @!p1 $0x6400;
	s14 =	sadd.s32 @!p1 s14, s16;
	s16 =	simm.s32 @!p1 $0x40  }
0x26: {  	[tilespmem:s15], [sflag:$0x1] =	stream.strided.gather @!p1 [hbm4b:s14+s16], $0x2000, s17, s16, $0x38;
	[tilespmem:$0x8080] =	vst v63  }
0x27: {  	p1 =	sge.u32 s31, s5  }
.Ltmp2:
0x28: {  	_ = 	snop;
	(pc) =	sbr.rel @p1 .LBB1_5-.Ltmp2, $1  }
0x29: {  	_ =	sdelay $0x3  }
0x2a: {  	s14 =	simm.s32 $0x1  }
0x2b: {  	_ =	swait.ge [sflag:s4], $0x2000;
	s14 =	simm.s32 @!p0 $0x0  }
0x2c: {  	[sflag:s4] =	ssyncset.done $0x0;
	s15 =	sshll.u32 s14, $0xD  }
0x2d: {  	[sflag:s4] =	ssyncadd.s32 $0xFFFFE000;
	s18 =	sor.u32 $0x20, s15  }
0x2e: {  	s14 =	smul.u32 $0x8100, s14;
	v3 =	vld [tilespmem:s18+$0x10]  }
0x2f: {  	s30 =	sand.u32 $0x1, s11;
	v2 =	vld [tilespmem:s18+$0xFFFFFFF0]  }
0x30: {  	s15 =	smul.u32 $0x8100, s30;
	s14 =	sshrl.u32 s14, $0x2;
	v0 =	vld [tilespmem:s18+$0x0]  }
0x31: {  	v1 =	vld [tilespmem:s18+$0xFFFFFFE0];
	s16 =	sor.u32 $0x4000, s14  }
0x32: {  	s31 =	sshrl.u32 s15, $0x2;
	s15 =	sadd.s32 $0x0, s16  }
0x33: {  	s17 =	simm.s32 $0x4;
	s18 =	sadd.s32 $0x40, s18;
	s14 =	sor.u32 $0x4000, s31;
	[tilespmem:s15+$0x1830 ss:$0x81] =	vst.msk $0xffff, v3  }
.LBB1_3:
0x34: {  	v3 =	vld [tilespmem:s18+$0x10];
	p1 =	sne.s32 s17, $0x1FC;
	[tilespmem:s15+$0x810 ss:$0x81] =	vst.msk $0xffff, v2;
	s19 =	smov.u32 s17;
	s17 =	sadd.s32 $0x4, s17  }
.Ltmp3:
0x35: {  	v2 =	vld [tilespmem:s18+$0xFFFFFFF0];
	[tilespmem:s15+$0x1020 ss:$0x81] =	vst.msk $0xffff, v0;
	(pc) =	sbr.rel @p1 .LBB1_3-.Ltmp3, $4  }
0x36: {  	v0 =	vld [tilespmem:s18+$0x0];
	[tilespmem:s15+$0x0 ss:$0x81] =	vst.msk $0xffff, v1  }
0x37: {  	s15 =	sshra.s32 s19, $0x2;
	v1 =	vld [tilespmem:s18+$0xFFFFFFE0]  }
0x38: {  	s15 =	sadd.s32 s15, s16  }
0x39: {  	s18 =	sadd.s32 $0x40, s18;
	[tilespmem:s15+$0x1830 ss:$0x81] =	vst.msk $0xffff, v3  }
.Ltmp4:
0x3a: {  	_ = 	snop;
	(pc) =	sbr.rel .LBB1_4-.Ltmp4, $1  }
0x3b: {  	_ =	sdelay $0x3  }
.LBB1_6:
0x3c: {  	_ =	sfence.sel $0x180000  }
0x3d: {  	s2 =	simm.s32 $0x1;
	[bflag:$0x0] =	sbarrier.arrive $0xFFFF  }
0x3e: {  	s31 =	simm.s32 $0x2;
	[sflag:s2] =	ssyncpa.u1 $0x1  }
0x3f: {  	[sflag:s31] =	ssyncpa.u1 $0x1  }
0x40: {  	p0 =	sne.s32 s0, $0x0;
	_ =	strace $0x9000004A  }
0x41: {  	s0 =	sadd.s32 @!p0 $0x100000, s1;
	[bflag:$0x2] =	sbarrier.arrive $0xFFFF  }
0x42: {  	[sflag:s0] =	ssyncadd.tile.s32 @!p0 $0x1;
	_ =	shalt  }
.Lfunc_end1:
_tile_overlayer_lowered:
.L_overlay_start_2:
0x43: {  	(tag) =	ssettag $0x2  }
0x44: {  	s0 =	rddreg [dreg:$0x0];
	s2 =	stileid.u32  }
0x45: {  	s1 =	rddreg [dreg:$0x1];
	p0 =	sne.s32 s2, $0x0  }
0x46: {  	s3 =	rddreg [dreg:$0x2];
	[bflag:$0x3] =	sbarrier.arrive $0xFFFF;
	s2 =	simm.s32 @!p0 $0x1C01  }
0x47: {  	[timem:s3], [sflag:s2] =	dma.local @!p0 [hbm:s0], s1  }
0x48: {  	s0 =	simm.s32 @!p0 $0x1  }
0x49: {  	_ =	swait.ge @!p0 [sflag:s0], s1  }
0x4a: {  	s1 =	ssub.s32 @!p0 $0x0, s1;
	[sflag:s0] =	ssyncset.done @!p0 $0x0  }
0x4b: {  	[sflag:s0] =	ssyncadd.s32 @!p0 s1  }
0x4c: {  	[bflag:$0x3] =	sbarrier.arrive $0xFFFF  }
0x4d: {  	_ =	shalt  }

</sc_bundles>
